<compile_context>
chip_gen: v7x
topology: tpu7x:2x2x1
jax: 0.10.2.dev20260603
libtpu: 0.0.44.dev20260713+nightly
codegen_flags: <defaults>
</compile_context>

<pallas_src>
import functools

import jax
import jax.numpy as jnp
from jax import lax
from jax.experimental import pallas as pl
from jax.experimental.pallas import tpu as pltpu
from jax.experimental.pallas import tpu_sc as plsc

_G = 64
_K = 80
_F = 128


def _sc_mesh():
    return plsc.VectorSubcoreMesh(core_axis_name="c", subcore_axis_name="s")


@functools.lru_cache(maxsize=None)
def _degree_kernel(NPAD, NCH):
    DF = _F
    RPT = NPAD // 16

    @functools.partial(
        pl.kernel,
        mesh=_sc_mesh(),
        out_type=jax.ShapeDtypeStruct((2, 16, RPT, DF), jnp.float32),
        scratch_types=[
            pltpu.VMEM((NCH, _K), jnp.int32),
            pltpu.VMEM((_K, DF), jnp.float32),
            pltpu.VMEM_SHARED((NPAD, DF), jnp.float32),
            pltpu.SemaphoreType.DMA,
        ],
    )
    def kern(dst3, ones, zeros, out, dst_v, ones_v, deg_sh, sem):
        c = lax.axis_index("c")
        s = lax.axis_index("s")
        wid = s * 2 + c
        pltpu.sync_copy(dst3.at[wid], dst_v)
        pltpu.sync_copy(ones, ones_v)
        r0 = s * RPT
        pltpu.sync_copy(zeros, deg_sh.at[pl.ds(r0, RPT)])
        plsc.subcore_barrier()

        def body(i, t):
            pltpu.sync_copy(ones_v, deg_sh.at[dst_v.at[i]], add=True)
            return t

        lax.fori_loop(0, NCH, body, 0)
        plsc.subcore_barrier()
        pltpu.sync_copy(deg_sh.at[pl.ds(r0, RPT)], out.at[c, s])

    return kern


@functools.lru_cache(maxsize=None)
def _edge_agg_kernel(NPAD, NCH):
    RPT = NPAD // 16

    @functools.partial(
        pl.kernel,
        mesh=_sc_mesh(),
        out_type=jax.ShapeDtypeStruct((2, 16, RPT, _F), jnp.float32),
        scratch_types=[
            pltpu.VMEM((NCH, _K), jnp.int32),
            pltpu.VMEM((NCH, _K), jnp.int32),
            pltpu.VMEM((_K, _F), jnp.float32),
            pltpu.VMEM_SHARED((NPAD, _F), jnp.float32),
            pltpu.SemaphoreType.DMA,
        ],
    )
    def kern(hs, src3, dst3, zeros, out, src_v, dst_v, rows_v, agg_sh, sem):
        c = lax.axis_index("c")
        s = lax.axis_index("s")
        wid = s * 2 + c
        pltpu.sync_copy(src3.at[wid], src_v)
        pltpu.sync_copy(dst3.at[wid], dst_v)
        r0 = s * RPT
        pltpu.sync_copy(zeros, agg_sh.at[pl.ds(r0, RPT)])
        plsc.subcore_barrier()

        def body(i, t):
            pltpu.async_copy(hs.at[src_v.at[i]], rows_v, sem).wait()
            pltpu.sync_copy(rows_v, agg_sh.at[dst_v.at[i]], add=True)
            return t

        lax.fori_loop(0, NCH, body, 0)
        plsc.subcore_barrier()
        pltpu.sync_copy(agg_sh.at[pl.ds(r0, RPT)], out.at[c, s])

    return kern


def _tc1_body(degp_ref, x_ref, w_ref, hs_ref, dis_ref):
    deg = degp_ref[0][:, 0:1] + degp_ref[1][:, 0:1] + 1.0
    dis = lax.rsqrt(deg)
    dis_ref[...] = dis
    hs_ref[...] = jnp.dot(
        x_ref[...], w_ref[...], preferred_element_type=jnp.float32) * dis


def _bn_relu(h_in, aggp_ref, hs_ref, dis_ref, b_ref, g_ref, be_ref):
    tot = (aggp_ref[0][:, :h_in] + aggp_ref[1][:, :h_in]
           + hs_ref[:, :h_in]) * dis_ref[...] + b_ref[...]
    m = jnp.mean(tot, axis=0, keepdims=True)
    d = tot - m
    v = jnp.mean(d * d, axis=0, keepdims=True)
    return jnp.maximum(d * lax.rsqrt(v + 1e-5) * g_ref[...] + be_ref[...], 0.0)


def _tc_mid_body(h_in, aggp_ref, hs_ref, dis_ref, b_ref, g_ref, be_ref,
                 w_ref, out_ref):
    act = _bn_relu(h_in, aggp_ref, hs_ref, dis_ref, b_ref, g_ref, be_ref)
    hn = jnp.dot(act, w_ref[...], preferred_element_type=jnp.float32) * dis_ref[...]
    n, h_out = hn.shape
    out_ref[...] = jnp.concatenate(
        [hn, jnp.zeros((n, _F - h_out), jnp.float32)], axis=1)


def _tc_post_body(h_in, aggp_ref, hs_ref, dis_ref, b_ref, g_ref, be_ref,
                  batch_ref, wm1_ref, bm1_ref, wm2_ref, bm2_ref, out_ref):
    act = _bn_relu(h_in, aggp_ref, hs_ref, dis_ref, b_ref, g_ref, be_ref)
    n = act.shape[0]
    gids = lax.broadcasted_iota(jnp.int32, (_G, n), 0)
    onehot_t = (gids == batch_ref[...]).astype(jnp.float32)
    ssum = jnp.dot(onehot_t, act, preferred_element_type=jnp.float32)
    cnt = jnp.dot(onehot_t, jnp.ones((n, 1), jnp.float32),
                  preferred_element_type=jnp.float32)
    pooled = ssum / jnp.maximum(cnt, 1.0)
    z = jnp.maximum(
        jnp.dot(pooled, wm1_ref[...], preferred_element_type=jnp.float32)
        + bm1_ref[...], 0.0)
    out_ref[...] = (
        jnp.dot(z, wm2_ref[...], preferred_element_type=jnp.float32)
        + bm2_ref[...])


def kernel(x, edge_index, batch, W1, b1, g1, be1, W2, b2, g2, be2,
           W3, b3, g3, be3, Wm1, bm1, Wm2, bm2):
    N, D = x.shape
    E = edge_index.shape[1]
    H1 = W1.shape[1]
    H2 = W2.shape[1]
    C = Wm2.shape[1]

    NW = 32
    NPAD = ((N + 127) // 128) * 128
    RPT = NPAD // 16

    NCH = -(-E // (NW * _K))
    pad = NW * NCH * _K - E
    srcp = jnp.concatenate([edge_index[0], jnp.zeros((pad,), jnp.int32)])
    dstp = jnp.concatenate(
        [edge_index[1], jnp.full((pad,), NPAD - 1, jnp.int32)])
    src3 = srcp.reshape(NW, NCH, _K)
    dst3 = dstp.reshape(NW, NCH, _K)
    batch_row = batch.reshape(1, N)

    ones_deg = jnp.ones((_K, _F), jnp.float32)
    zeros_f = jnp.zeros((RPT, _F), jnp.float32)

    degp = (_degree_kernel(NPAD, NCH)(dst3, ones_deg, zeros_f)
            .reshape(2, NPAD, _F)[:, :N, :8])

    hs1, dis = pl.pallas_call(
        _tc1_body,
        out_shape=(
            jax.ShapeDtypeStruct((N, H1), jnp.float32),
            jax.ShapeDtypeStruct((N, 1), jnp.float32),
        ),
    )(degp, x, W1)

    agg = _edge_agg_kernel(NPAD, NCH)
    agg1 = agg(hs1, src3, dst3, zeros_f).reshape(2, NPAD, _F)[:, :N]

    def tc_mid(h_in, aggp, hs, b, g, be, W):
        return pl.pallas_call(
            functools.partial(_tc_mid_body, h_in),
            out_shape=jax.ShapeDtypeStruct((N, _F), jnp.float32),
        )(aggp, hs, dis, b.reshape(1, -1), g.reshape(1, -1),
          be.reshape(1, -1), W)

    hs2 = tc_mid(H1, agg1, hs1, b1, g1, be1, W2)
    agg2 = agg(hs2, src3, dst3, zeros_f).reshape(2, NPAD, _F)[:, :N]
    hs3 = tc_mid(H2, agg2, hs2, b2, g2, be2, W3)
    agg3 = agg(hs3, src3, dst3, zeros_f).reshape(2, NPAD, _F)[:, :N]

    out = pl.pallas_call(
        functools.partial(_tc_post_body, H2),
        out_shape=jax.ShapeDtypeStruct((_G, C), jnp.float32),
    )(agg3, hs3, dis, b3.reshape(1, -1), g3.reshape(1, -1),
      be3.reshape(1, -1), batch_row, Wm1, bm1.reshape(1, -1),
      Wm2, bm2.reshape(1, -1))

    return out

# --- scband reference (transcript-rebuilt; emitter-appended) ---
"""Pipeline reference for scband-gnnclassifier-28209345200794 (READ-ONLY COPY).

The authoritative reference and input builder live on the scoring server;
editing this copy changes nothing except your own understanding.
"""

import jax, jax.numpy as jnp
import numpy as np

N = 10000
E = 320000
D = 128
H1 = 128
H2 = 64
C = 10
G = 64

def setup_inputs(seed: int = 0):
    key = jax.random.key(seed)
    ks = jax.random.split(key, 24)
    inp = {}
    inp["x"] = jax.random.normal(ks[0], (N, D), dtype=jnp.float32)
    inp["edge_index"] = jax.random.randint(ks[1], (2, E), 0, N, dtype=jnp.int32)
    inp["batch"] = jnp.sort(jax.random.randint(ks[2], (N,), 0, G, dtype=jnp.int32))
    def dense(k, fan_in, shape):
        return (jax.random.normal(k, shape, dtype=jnp.float32) / np.sqrt(fan_in)).astype(jnp.float32)
    inp["W1"] = dense(ks[3], D, (D, H1));   inp["b1"] = jnp.zeros((H1,), jnp.float32)
    inp["g1"] = jnp.ones((H1,), jnp.float32); inp["be1"] = jnp.zeros((H1,), jnp.float32)
    inp["W2"] = dense(ks[4], H1, (H1, H2)); inp["b2"] = jnp.zeros((H2,), jnp.float32)
    inp["g2"] = jnp.ones((H2,), jnp.float32); inp["be2"] = jnp.zeros((H2,), jnp.float32)
    inp["W3"] = dense(ks[5], H2, (H2, H2)); inp["b3"] = jnp.zeros((H2,), jnp.float32)
    inp["g3"] = jnp.ones((H2,), jnp.float32); inp["be3"] = jnp.zeros((H2,), jnp.float32)
    inp["Wm1"] = dense(ks[6], H2, (H2, H2)); inp["bm1"] = jnp.zeros((H2,), jnp.float32)
    inp["Wm2"] = dense(ks[7], H2, (H2, C));  inp["bm2"] = jnp.zeros((C,), jnp.float32)
    return inp

def _gcn(x, src, dst, W, b, n):
    h = x @ W
    loop = jnp.arange(n, dtype=src.dtype)
    s = jnp.concatenate([src, loop])
    d = jnp.concatenate([dst, loop])
    deg = jnp.zeros((n,), jnp.float32).at[d].add(1.0)
    dis = jnp.where(deg > 0, jax.lax.rsqrt(jnp.maximum(deg, 1e-12)), 0.0)
    norm = dis[s] * dis[d]
    msg = h[s] * norm[:, None]
    out = jnp.zeros((n, h.shape[1]), jnp.float32).at[d].add(msg)
    return out + b

def _bn(x, g, b, eps=1e-5):
    m = x.mean(axis=0)
    v = x.var(axis=0)
    return (x - m) * jax.lax.rsqrt(v + eps) * g + b

def reference(x, edge_index, batch, W1, b1, g1, be1, W2, b2, g2, be2, W3, b3, g3, be3, Wm1, bm1, Wm2, bm2):
    src = edge_index[0]
    dst = edge_index[1]
    n = x.shape[0]
    h = jax.nn.relu(_bn(_gcn(x, src, dst, W1, b1, n), g1, be1))
    h = jax.nn.relu(_bn(_gcn(h, src, dst, W2, b2, n), g2, be2))
    h = jax.nn.relu(_bn(_gcn(h, src, dst, W3, b3, n), g3, be3))
    ssum = jax.ops.segment_sum(h, batch, num_segments=G)
    cnt = jax.ops.segment_sum(jnp.ones((n,), jnp.float32), batch, num_segments=G)
    pooled = ssum / jnp.maximum(cnt, 1.0)[:, None]
    z = jax.nn.relu(pooled @ Wm1 + bm1)
    return z @ Wm2 + bm2

if __name__ == "__main__":
    import jax
    _d = setup_inputs()
    print(jax.jit(kernel)(*tuple(_d.values())))

</pallas_src>

<mosaic_0001>
#map = affine_map<(d0, d1) -> (0, 0)>
#map1 = affine_map<(d0, d1) -> (0, 0, 0)>
#map2 = affine_map<(d0, d1) -> (0, 0, 0, 0)>
module attributes {stable_mosaic.version = 14 : i64} {
  func.func @kern(%arg0: i32, %arg1: i32, %arg2: memref<10000x128xf32, #tpu.memory_space<hbm>>, %arg3: memref<32x125x80xi32, #tpu.memory_space<hbm>>, %arg4: memref<32x125x80xi32, #tpu.memory_space<hbm>>, %arg5: memref<632x128xf32, #tpu.memory_space<hbm>>, %arg6: memref<2x16x632x128xf32, #tpu.memory_space<hbm>>, %arg7: memref<125x80xi32, #tpu.memory_space<vmem>>, %arg8: memref<125x80xi32, #tpu.memory_space<vmem>>, %arg9: memref<80x128xf32, #tpu.memory_space<vmem>>, %arg10: memref<10112x128xf32, #tpu.memory_space<vmem_shared>>, %arg11: memref<!tpu.dma_semaphore, #tpu.memory_space<semaphore_mem>>) attributes {dimension_semantics = [#tpu.dimension_semantics<core_parallel>, #tpu.dimension_semantics<subcore_parallel>], iteration_bounds = array<i64: 2, 16>, scalar_prefetch = 0 : i64, scratch_operands = 5 : i64, tpu.core_type = #tpu.core_type<sc_vector_subcore>, window_params = [{transform_indices = #map}, {transform_indices = #map1}, {transform_indices = #map1}, {transform_indices = #map}, {transform_indices = #map2}]} {
    %mul3A = arith.constant 2 : i32
    %mul3A_0 = arith.muli %arg1, %mul3A : i32
    %add3A = arith.addi %mul3A_0, %arg0 : i32
    "tpu.region"() ({
      %run_scoped3A = tpu.sem_alloc : memref<!tpu.dma_semaphore, #tpu.memory_space<semaphore_mem>>
      %dma_start3A = arith.constant 0 : i32
      %dma_start3A_9 = arith.constant 0 : i32
      %dma_start3A_10 = tpu.memref_slice %arg3[%add3A, %dma_start3A, %dma_start3A_9] : memref<32x125x80xi32, #tpu.memory_space<hbm>> -> memref<1x125x80xi32, #tpu.memory_space<hbm>>
      %dma_start3A_11 = tpu.memref_squeeze %dma_start3A_10 : memref<1x125x80xi32, #tpu.memory_space<hbm>> -> memref<125x80xi32, #tpu.memory_space<hbm>>
      %dma_start3A_12 = arith.constant 0 : i32
      %dma_start3A_13 = arith.constant 0 : i32
      %dma_start3A_14 = tpu.memref_slice %arg3[%add3A, %dma_start3A_12, %dma_start3A_13] : memref<32x125x80xi32, #tpu.memory_space<hbm>> -> memref<1x125x80xi32, #tpu.memory_space<hbm>>
      %dma_start3A_15 = tpu.memref_squeeze %dma_start3A_14 : memref<1x125x80xi32, #tpu.memory_space<hbm>> -> memref<125x80xi32, #tpu.memory_space<hbm>>
      tpu.enqueue_dma source(%dma_start3A_15 : memref<125x80xi32, #tpu.memory_space<hbm>>) target(%arg7 : memref<125x80xi32, #tpu.memory_space<vmem>>) target_semaphore(%run_scoped3A : memref<!tpu.dma_semaphore, #tpu.memory_space<semaphore_mem>>)
      %dma_wait3A = arith.constant 0 : i32
      %dma_wait3A_16 = arith.constant 0 : i32
      %dma_wait3A_17 = tpu.memref_slice %arg3[%add3A, %dma_wait3A, %dma_wait3A_16] : memref<32x125x80xi32, #tpu.memory_space<hbm>> -> memref<1x125x80xi32, #tpu.memory_space<hbm>>
      %dma_wait3A_18 = tpu.memref_squeeze %dma_wait3A_17 : memref<1x125x80xi32, #tpu.memory_space<hbm>> -> memref<125x80xi32, #tpu.memory_space<hbm>>
      %dma_wait3A_19 = arith.constant 0 : i32
      %dma_wait3A_20 = arith.constant 0 : i32
      %dma_wait3A_21 = tpu.memref_slice %arg3[%add3A, %dma_wait3A_19, %dma_wait3A_20] : memref<32x125x80xi32, #tpu.memory_space<hbm>> -> memref<1x125x80xi32, #tpu.memory_space<hbm>>
      %dma_wait3A_22 = tpu.memref_squeeze %dma_wait3A_21 : memref<1x125x80xi32, #tpu.memory_space<hbm>> -> memref<125x80xi32, #tpu.memory_space<hbm>>
      tpu.wait_dma2 semaphore(%run_scoped3A : memref<!tpu.dma_semaphore, #tpu.memory_space<semaphore_mem>>) src(%dma_wait3A_22 : memref<125x80xi32, #tpu.memory_space<hbm>>) dst(%arg7 : memref<125x80xi32, #tpu.memory_space<vmem>>)
      tpu.yield
    }) : () -> ()
    "tpu.region"() ({
      %run_scoped3A = tpu.sem_alloc : memref<!tpu.dma_semaphore, #tpu.memory_space<semaphore_mem>>
      %dma_start3A = arith.constant 0 : i32
      %dma_start3A_9 = arith.constant 0 : i32
      %dma_start3A_10 = tpu.memref_slice %arg4[%add3A, %dma_start3A, %dma_start3A_9] : memref<32x125x80xi32, #tpu.memory_space<hbm>> -> memref<1x125x80xi32, #tpu.memory_space<hbm>>
      %dma_start3A_11 = tpu.memref_squeeze %dma_start3A_10 : memref<1x125x80xi32, #tpu.memory_space<hbm>> -> memref<125x80xi32, #tpu.memory_space<hbm>>
      %dma_start3A_12 = arith.constant 0 : i32
      %dma_start3A_13 = arith.constant 0 : i32
      %dma_start3A_14 = tpu.memref_slice %arg4[%add3A, %dma_start3A_12, %dma_start3A_13] : memref<32x125x80xi32, #tpu.memory_space<hbm>> -> memref<1x125x80xi32, #tpu.memory_space<hbm>>
      %dma_start3A_15 = tpu.memref_squeeze %dma_start3A_14 : memref<1x125x80xi32, #tpu.memory_space<hbm>> -> memref<125x80xi32, #tpu.memory_space<hbm>>
      tpu.enqueue_dma source(%dma_start3A_15 : memref<125x80xi32, #tpu.memory_space<hbm>>) target(%arg8 : memref<125x80xi32, #tpu.memory_space<vmem>>) target_semaphore(%run_scoped3A : memref<!tpu.dma_semaphore, #tpu.memory_space<semaphore_mem>>)
      %dma_wait3A = arith.constant 0 : i32
      %dma_wait3A_16 = arith.constant 0 : i32
      %dma_wait3A_17 = tpu.memref_slice %arg4[%add3A, %dma_wait3A, %dma_wait3A_16] : memref<32x125x80xi32, #tpu.memory_space<hbm>> -> memref<1x125x80xi32, #tpu.memory_space<hbm>>
      %dma_wait3A_18 = tpu.memref_squeeze %dma_wait3A_17 : memref<1x125x80xi32, #tpu.memory_space<hbm>> -> memref<125x80xi32, #tpu.memory_space<hbm>>
      %dma_wait3A_19 = arith.constant 0 : i32
      %dma_wait3A_20 = arith.constant 0 : i32
      %dma_wait3A_21 = tpu.memref_slice %arg4[%add3A, %dma_wait3A_19, %dma_wait3A_20] : memref<32x125x80xi32, #tpu.memory_space<hbm>> -> memref<1x125x80xi32, #tpu.memory_space<hbm>>
      %dma_wait3A_22 = tpu.memref_squeeze %dma_wait3A_21 : memref<1x125x80xi32, #tpu.memory_space<hbm>> -> memref<125x80xi32, #tpu.memory_space<hbm>>
      tpu.wait_dma2 semaphore(%run_scoped3A : memref<!tpu.dma_semaphore, #tpu.memory_space<semaphore_mem>>) src(%dma_wait3A_22 : memref<125x80xi32, #tpu.memory_space<hbm>>) dst(%arg8 : memref<125x80xi32, #tpu.memory_space<vmem>>)
      tpu.yield
    }) : () -> ()
    %mul3A_1 = arith.constant 632 : i32
    %mul3A_2 = arith.muli %arg1, %mul3A_1 : i32
    "tpu.region"() ({
      %run_scoped3A = tpu.sem_alloc : memref<!tpu.dma_semaphore, #tpu.memory_space<semaphore_mem>>
      %dma_start3A = arith.constant 0 : i32
      %dma_start3A_9 = tpu.memref_slice %arg10[%mul3A_2, %dma_start3A] : memref<10112x128xf32, #tpu.memory_space<vmem_shared>> -> memref<632x128xf32, #tpu.memory_space<vmem_shared>>
      tpu.enqueue_dma source(%arg5 : memref<632x128xf32, #tpu.memory_space<hbm>>) target(%dma_start3A_9 : memref<632x128xf32, #tpu.memory_space<vmem_shared>>) target_semaphore(%run_scoped3A : memref<!tpu.dma_semaphore, #tpu.memory_space<semaphore_mem>>)
      %dma_wait3A = arith.constant 0 : i32
      %dma_wait3A_10 = tpu.memref_slice %arg10[%mul3A_2, %dma_wait3A] : memref<10112x128xf32, #tpu.memory_space<vmem_shared>> -> memref<632x128xf32, #tpu.memory_space<vmem_shared>>
      tpu.wait_dma2 semaphore(%run_scoped3A : memref<!tpu.dma_semaphore, #tpu.memory_space<semaphore_mem>>) src(%arg5 : memref<632x128xf32, #tpu.memory_space<hbm>>) dst(%dma_wait3A_10 : memref<632x128xf32, #tpu.memory_space<vmem_shared>>)
      tpu.yield
    }) : () -> ()
    %barrier3A = arith.constant 0 : index
    tpu.barrier barrier_id(%barrier3A)
    %scan3A = arith.constant 0 : i32
    %scan3A_3 = arith.constant 0 : i32
    %scan3A_4 = arith.constant 125 : i32
    %scan3A_5 = arith.addi %scan3A_3, %scan3A_4 : i32
    %scan3A_6 = arith.constant 1 : i32
    scf.for %scan3A_9 = %scan3A_3 to %scan3A_5 step %scan3A_6  : i32 {
      %dma_start3A = arith.constant 0 : i32
      %dma_start3A_10 = tpu.memref_slice %arg7[%scan3A_9, %dma_start3A] : memref<125x80xi32, #tpu.memory_space<vmem>> -> memref<1x80xi32, #tpu.memory_space<vmem>>
      %dma_start3A_11 = tpu.memref_squeeze %dma_start3A_10 : memref<1x80xi32, #tpu.memory_space<vmem>> -> memref<80xi32, #tpu.memory_space<vmem>>
      %dma_start3A_12 = arith.constant 0 : i32
      %dma_start3A_13 = arith.constant 0 : i32
      %dma_start3A_14 = tpu.memref_slice %arg2[%dma_start3A_12, %dma_start3A_13] : memref<10000x128xf32, #tpu.memory_space<hbm>> -> memref<10000x128xf32, #tpu.memory_space<hbm>>
      tpu.enqueue_indirect_dma source(%dma_start3A_14 : memref<10000x128xf32, #tpu.memory_space<hbm>>) target(%arg9 : memref<80x128xf32, #tpu.memory_space<vmem>>) offsets(%dma_start3A_11 : memref<80xi32, #tpu.memory_space<vmem>>) semaphore(%arg11 : memref<!tpu.dma_semaphore, #tpu.memory_space<semaphore_mem>>)
      %dma_wait3A = arith.constant 0 : i32
      %dma_wait3A_15 = tpu.memref_slice %arg7[%scan3A_9, %dma_wait3A] : memref<125x80xi32, #tpu.memory_space<vmem>> -> memref<1x80xi32, #tpu.memory_space<vmem>>
      %dma_wait3A_16 = tpu.memref_squeeze %dma_wait3A_15 : memref<1x80xi32, #tpu.memory_space<vmem>> -> memref<80xi32, #tpu.memory_space<vmem>>
      %dma_wait3A_17 = arith.constant 0 : i32
      %dma_wait3A_18 = arith.constant 0 : i32
      %dma_wait3A_19 = tpu.memref_slice %arg2[%dma_wait3A_17, %dma_wait3A_18] : memref<10000x128xf32, #tpu.memory_space<hbm>> -> memref<10000x128xf32, #tpu.memory_space<hbm>>
      tpu.wait_indirect_dma semaphore(%arg11 : memref<!tpu.dma_semaphore, #tpu.memory_space<semaphore_mem>>) src(%dma_wait3A_19 : memref<10000x128xf32, #tpu.memory_space<hbm>>) dst(%arg9 : memref<80x128xf32, #tpu.memory_space<vmem>>)
      "tpu.region"() ({
        %run_scoped3A = tpu.sem_alloc : memref<!tpu.dma_semaphore, #tpu.memory_space<semaphore_mem>>
        %dma_start3A_20 = arith.constant 0 : i32
        %dma_start3A_21 = tpu.memref_slice %arg8[%scan3A_9, %dma_start3A_20] : memref<125x80xi32, #tpu.memory_space<vmem>> -> memref<1x80xi32, #tpu.memory_space<vmem>>
        %dma_start3A_22 = tpu.memref_squeeze %dma_start3A_21 : memref<1x80xi32, #tpu.memory_space<vmem>> -> memref<80xi32, #tpu.memory_space<vmem>>
        %dma_start3A_23 = arith.constant 0 : i32
        %dma_start3A_24 = arith.constant 0 : i32
        %dma_start3A_25 = tpu.memref_slice %arg10[%dma_start3A_23, %dma_start3A_24] : memref<10112x128xf32, #tpu.memory_space<vmem_shared>> -> memref<10112x128xf32, #tpu.memory_space<vmem_shared>>
        tpu.enqueue_indirect_dma source(%arg9 : memref<80x128xf32, #tpu.memory_space<vmem>>) target(%dma_start3A_25 : memref<10112x128xf32, #tpu.memory_space<vmem_shared>>) offsets(%dma_start3A_22 : memref<80xi32, #tpu.memory_space<vmem>>) semaphore(%run_scoped3A : memref<!tpu.dma_semaphore, #tpu.memory_space<semaphore_mem>>) {add = true}
        %dma_wait3A_26 = arith.constant 0 : i32
        %dma_wait3A_27 = tpu.memref_slice %arg8[%scan3A_9, %dma_wait3A_26] : memref<125x80xi32, #tpu.memory_space<vmem>> -> memref<1x80xi32, #tpu.memory_space<vmem>>
        %dma_wait3A_28 = tpu.memref_squeeze %dma_wait3A_27 : memref<1x80xi32, #tpu.memory_space<vmem>> -> memref<80xi32, #tpu.memory_space<vmem>>
        %dma_wait3A_29 = arith.constant 0 : i32
        %dma_wait3A_30 = arith.constant 0 : i32
        %dma_wait3A_31 = tpu.memref_slice %arg10[%dma_wait3A_29, %dma_wait3A_30] : memref<10112x128xf32, #tpu.memory_space<vmem_shared>> -> memref<10112x128xf32, #tpu.memory_space<vmem_shared>>
        tpu.wait_indirect_dma semaphore(%run_scoped3A : memref<!tpu.dma_semaphore, #tpu.memory_space<semaphore_mem>>) src(%arg9 : memref<80x128xf32, #tpu.memory_space<vmem>>) dst(%dma_wait3A_31 : memref<10112x128xf32, #tpu.memory_space<vmem_shared>>)
        tpu.yield
      }) : () -> ()
    }
    %scan3A_7 = arith.constant 125 : i32
    %barrier3A_8 = arith.constant 0 : index
    tpu.barrier barrier_id(%barrier3A_8)
    "tpu.region"() ({
      %run_scoped3A = tpu.sem_alloc : memref<!tpu.dma_semaphore, #tpu.memory_space<semaphore_mem>>
      %dma_start3A = arith.constant 0 : i32
      %dma_start3A_9 = arith.constant 0 : i32
      %dma_start3A_10 = tpu.memref_slice %arg6[%arg0, %arg1, %dma_start3A, %dma_start3A_9] : memref<2x16x632x128xf32, #tpu.memory_space<hbm>> -> memref<1x1x632x128xf32, #tpu.memory_space<hbm>>
      %dma_start3A_11 = tpu.memref_squeeze %dma_start3A_10 : memref<1x1x632x128xf32, #tpu.memory_space<hbm>> -> memref<632x128xf32, #tpu.memory_space<hbm>>
      %dma_start3A_12 = arith.constant 0 : i32
      %dma_start3A_13 = tpu.memref_slice %arg10[%mul3A_2, %dma_start3A_12] : memref<10112x128xf32, #tpu.memory_space<vmem_shared>> -> memref<632x128xf32, #tpu.memory_space<vmem_shared>>
      tpu.enqueue_dma source(%dma_start3A_13 : memref<632x128xf32, #tpu.memory_space<vmem_shared>>) target(%dma_start3A_11 : memref<632x128xf32, #tpu.memory_space<hbm>>) target_semaphore(%run_scoped3A : memref<!tpu.dma_semaphore, #tpu.memory_space<semaphore_mem>>)
      %dma_wait3A = arith.constant 0 : i32
      %dma_wait3A_14 = arith.constant 0 : i32
      %dma_wait3A_15 = tpu.memref_slice %arg6[%arg0, %arg1, %dma_wait3A, %dma_wait3A_14] : memref<2x16x632x128xf32, #tpu.memory_space<hbm>> -> memref<1x1x632x128xf32, #tpu.memory_space<hbm>>
      %dma_wait3A_16 = tpu.memref_squeeze %dma_wait3A_15 : memref<1x1x632x128xf32, #tpu.memory_space<hbm>> -> memref<632x128xf32, #tpu.memory_space<hbm>>
      %dma_wait3A_17 = arith.constant 0 : i32
      %dma_wait3A_18 = tpu.memref_slice %arg10[%mul3A_2, %dma_wait3A_17] : memref<10112x128xf32, #tpu.memory_space<vmem_shared>> -> memref<632x128xf32, #tpu.memory_space<vmem_shared>>
      tpu.wait_dma2 semaphore(%run_scoped3A : memref<!tpu.dma_semaphore, #tpu.memory_space<semaphore_mem>>) src(%dma_wait3A_18 : memref<632x128xf32, #tpu.memory_space<vmem_shared>>) dst(%dma_wait3A_16 : memref<632x128xf32, #tpu.memory_space<hbm>>)
      tpu.yield
    }) : () -> ()
    return
  }
}

#map = affine_map<(d0, d1) -> (0, 0)>
#map1 = affine_map<(d0, d1) -> (0, 0, 0)>
#map2 = affine_map<(d0, d1) -> (0, 0, 0, 0)>
module attributes {stable_mosaic.version = 14 : i64} {
  func.func @kern(%arg0: i32, %arg1: i32, %arg2: memref<10000x128xf32, #tpu.memory_space<hbm>>, %arg3: memref<32x125x80xi32, #tpu.memory_space<hbm>>, %arg4: memref<32x125x80xi32, #tpu.memory_space<hbm>>, %arg5: memref<632x128xf32, #tpu.memory_space<hbm>>, %arg6: memref<2x16x632x128xf32, #tpu.memory_space<hbm>>, %arg7: memref<125x80xi32, #tpu.memory_space<vmem>>, %arg8: memref<125x80xi32, #tpu.memory_space<vmem>>, %arg9: memref<80x128xf32, #tpu.memory_space<vmem>>, %arg10: memref<10112x128xf32, #tpu.memory_space<vmem_shared>>, %arg11: memref<!tpu.dma_semaphore, #tpu.memory_space<semaphore_mem>>) attributes {dimension_semantics = [#tpu.dimension_semantics<core_parallel>, #tpu.dimension_semantics<subcore_parallel>], iteration_bounds = array<i64: 2, 16>, scalar_prefetch = 0 : i64, scratch_operands = 5 : i64, tpu.core_type = #tpu.core_type<sc_vector_subcore>, window_params = [{transform_indices = #map}, {transform_indices = #map1}, {transform_indices = #map1}, {transform_indices = #map}, {transform_indices = #map2}]} {
    %mul3A = arith.constant 2 : i32
    %mul3A_0 = arith.muli %arg1, %mul3A : i32
    %add3A = arith.addi %mul3A_0, %arg0 : i32
    "tpu.region"() ({
      %run_scoped3A = tpu.sem_alloc : memref<!tpu.dma_semaphore, #tpu.memory_space<semaphore_mem>>
      %dma_start3A = arith.constant 0 : i32
      %dma_start3A_9 = arith.constant 0 : i32
      %dma_start3A_10 = tpu.memref_slice %arg3[%add3A, %dma_start3A, %dma_start3A_9] : memref<32x125x80xi32, #tpu.memory_space<hbm>> -> memref<1x125x80xi32, #tpu.memory_space<hbm>>
      %dma_start3A_11 = tpu.memref_squeeze %dma_start3A_10 : memref<1x125x80xi32, #tpu.memory_space<hbm>> -> memref<125x80xi32, #tpu.memory_space<hbm>>
      %dma_start3A_12 = arith.constant 0 : i32
      %dma_start3A_13 = arith.constant 0 : i32
      %dma_start3A_14 = tpu.memref_slice %arg3[%add3A, %dma_start3A_12, %dma_start3A_13] : memref<32x125x80xi32, #tpu.memory_space<hbm>> -> memref<1x125x80xi32, #tpu.memory_space<hbm>>
      %dma_start3A_15 = tpu.memref_squeeze %dma_start3A_14 : memref<1x125x80xi32, #tpu.memory_space<hbm>> -> memref<125x80xi32, #tpu.memory_space<hbm>>
      tpu.enqueue_dma source(%dma_start3A_15 : memref<125x80xi32, #tpu.memory_space<hbm>>) target(%arg7 : memref<125x80xi32, #tpu.memory_space<vmem>>) target_semaphore(%run_scoped3A : memref<!tpu.dma_semaphore, #tpu.memory_space<semaphore_mem>>)
      %dma_wait3A = arith.constant 0 : i32
      %dma_wait3A_16 = arith.constant 0 : i32
      %dma_wait3A_17 = tpu.memref_slice %arg3[%add3A, %dma_wait3A, %dma_wait3A_16] : memref<32x125x80xi32, #tpu.memory_space<hbm>> -> memref<1x125x80xi32, #tpu.memory_space<hbm>>
      %dma_wait3A_18 = tpu.memref_squeeze %dma_wait3A_17 : memref<1x125x80xi32, #tpu.memory_space<hbm>> -> memref<125x80xi32, #tpu.memory_space<hbm>>
      %dma_wait3A_19 = arith.constant 0 : i32
      %dma_wait3A_20 = arith.constant 0 : i32
      %dma_wait3A_21 = tpu.memref_slice %arg3[%add3A, %dma_wait3A_19, %dma_wait3A_20] : memref<32x125x80xi32, #tpu.memory_space<hbm>> -> memref<1x125x80xi32, #tpu.memory_space<hbm>>
      %dma_wait3A_22 = tpu.memref_squeeze %dma_wait3A_21 : memref<1x125x80xi32, #tpu.memory_space<hbm>> -> memref<125x80xi32, #tpu.memory_space<hbm>>
      tpu.wait_dma2 semaphore(%run_scoped3A : memref<!tpu.dma_semaphore, #tpu.memory_space<semaphore_mem>>) src(%dma_wait3A_22 : memref<125x80xi32, #tpu.memory_space<hbm>>) dst(%arg7 : memref<125x80xi32, #tpu.memory_space<vmem>>)
      tpu.yield
    }) : () -> ()
    "tpu.region"() ({
      %run_scoped3A = tpu.sem_alloc : memref<!tpu.dma_semaphore, #tpu.memory_space<semaphore_mem>>
      %dma_start3A = arith.constant 0 : i32
      %dma_start3A_9 = arith.constant 0 : i32
      %dma_start3A_10 = tpu.memref_slice %arg4[%add3A, %dma_start3A, %dma_start3A_9] : memref<32x125x80xi32, #tpu.memory_space<hbm>> -> memref<1x125x80xi32, #tpu.memory_space<hbm>>
      %dma_start3A_11 = tpu.memref_squeeze %dma_start3A_10 : memref<1x125x80xi32, #tpu.memory_space<hbm>> -> memref<125x80xi32, #tpu.memory_space<hbm>>
      %dma_start3A_12 = arith.constant 0 : i32
      %dma_start3A_13 = arith.constant 0 : i32
      %dma_start3A_14 = tpu.memref_slice %arg4[%add3A, %dma_start3A_12, %dma_start3A_13] : memref<32x125x80xi32, #tpu.memory_space<hbm>> -> memref<1x125x80xi32, #tpu.memory_space<hbm>>
      %dma_start3A_15 = tpu.memref_squeeze %dma_start3A_14 : memref<1x125x80xi32, #tpu.memory_space<hbm>> -> memref<125x80xi32, #tpu.memory_space<hbm>>
      tpu.enqueue_dma source(%dma_start3A_15 : memref<125x80xi32, #tpu.memory_space<hbm>>) target(%arg8 : memref<125x80xi32, #tpu.memory_space<vmem>>) target_semaphore(%run_scoped3A : memref<!tpu.dma_semaphore, #tpu.memory_space<semaphore_mem>>)
      %dma_wait3A = arith.constant 0 : i32
      %dma_wait3A_16 = arith.constant 0 : i32
      %dma_wait3A_17 = tpu.memref_slice %arg4[%add3A, %dma_wait3A, %dma_wait3A_16] : memref<32x125x80xi32, #tpu.memory_space<hbm>> -> memref<1x125x80xi32, #tpu.memory_space<hbm>>
      %dma_wait3A_18 = tpu.memref_squeeze %dma_wait3A_17 : memref<1x125x80xi32, #tpu.memory_space<hbm>> -> memref<125x80xi32, #tpu.memory_space<hbm>>
      %dma_wait3A_19 = arith.constant 0 : i32
      %dma_wait3A_20 = arith.constant 0 : i32
      %dma_wait3A_21 = tpu.memref_slice %arg4[%add3A, %dma_wait3A_19, %dma_wait3A_20] : memref<32x125x80xi32, #tpu.memory_space<hbm>> -> memref<1x125x80xi32, #tpu.memory_space<hbm>>
      %dma_wait3A_22 = tpu.memref_squeeze %dma_wait3A_21 : memref<1x125x80xi32, #tpu.memory_space<hbm>> -> memref<125x80xi32, #tpu.memory_space<hbm>>
      tpu.wait_dma2 semaphore(%run_scoped3A : memref<!tpu.dma_semaphore, #tpu.memory_space<semaphore_mem>>) src(%dma_wait3A_22 : memref<125x80xi32, #tpu.memory_space<hbm>>) dst(%arg8 : memref<125x80xi32, #tpu.memory_space<vmem>>)
      tpu.yield
    }) : () -> ()
    %mul3A_1 = arith.constant 632 : i32
    %mul3A_2 = arith.muli %arg1, %mul3A_1 : i32
    "tpu.region"() ({
      %run_scoped3A = tpu.sem_alloc : memref<!tpu.dma_semaphore, #tpu.memory_space<semaphore_mem>>
      %dma_start3A = arith.constant 0 : i32
      %dma_start3A_9 = tpu.memref_slice %arg10[%mul3A_2, %dma_start3A] : memref<10112x128xf32, #tpu.memory_space<vmem_shared>> -> memref<632x128xf32, #tpu.memory_space<vmem_shared>>
      tpu.enqueue_dma source(%arg5 : memref<632x128xf32, #tpu.memory_space<hbm>>) target(%dma_start3A_9 : memref<632x128xf32, #tpu.memory_space<vmem_shared>>) target_semaphore(%run_scoped3A : memref<!tpu.dma_semaphore, #tpu.memory_space<semaphore_mem>>)
      %dma_wait3A = arith.constant 0 : i32
      %dma_wait3A_10 = tpu.memref_slice %arg10[%mul3A_2, %dma_wait3A] : memref<10112x128xf32, #tpu.memory_space<vmem_shared>> -> memref<632x128xf32, #tpu.memory_space<vmem_shared>>
      tpu.wait_dma2 semaphore(%run_scoped3A : memref<!tpu.dma_semaphore, #tpu.memory_space<semaphore_mem>>) src(%arg5 : memref<632x128xf32, #tpu.memory_space<hbm>>) dst(%dma_wait3A_10 : memref<632x128xf32, #tpu.memory_space<vmem_shared>>)
      tpu.yield
    }) : () -> ()
    %barrier3A = arith.constant 0 : index
    tpu.barrier barrier_id(%barrier3A)
    %scan3A = arith.constant 0 : i32
    %scan3A_3 = arith.constant 0 : i32
    %scan3A_4 = arith.constant 125 : i32
    %scan3A_5 = arith.addi %scan3A_3, %scan3A_4 : i32
    %scan3A_6 = arith.constant 1 : i32
    scf.for %scan3A_9 = %scan3A_3 to %scan3A_5 step %scan3A_6  : i32 {
      %dma_start3A = arith.constant 0 : i32
      %dma_start3A_10 = tpu.memref_slice %arg7[%scan3A_9, %dma_start3A] : memref<125x80xi32, #tpu.memory_space<vmem>> -> memref<1x80xi32, #tpu.memory_space<vmem>>
      %dma_start3A_11 = tpu.memref_squeeze %dma_start3A_10 : memref<1x80xi32, #tpu.memory_space<vmem>> -> memref<80xi32, #tpu.memory_space<vmem>>
      %dma_start3A_12 = arith.constant 0 : i32
      %dma_start3A_13 = arith.constant 0 : i32
      %dma_start3A_14 = tpu.memref_slice %arg2[%dma_start3A_12, %dma_start3A_13] : memref<10000x128xf32, #tpu.memory_space<hbm>> -> memref<10000x128xf32, #tpu.memory_space<hbm>>
      tpu.enqueue_indirect_dma source(%dma_start3A_14 : memref<10000x128xf32, #tpu.memory_space<hbm>>) target(%arg9 : memref<80x128xf32, #tpu.memory_space<vmem>>) offsets(%dma_start3A_11 : memref<80xi32, #tpu.memory_space<vmem>>) semaphore(%arg11 : memref<!tpu.dma_semaphore, #tpu.memory_space<semaphore_mem>>)
      %dma_wait3A = arith.constant 0 : i32
      %dma_wait3A_15 = tpu.memref_slice %arg7[%scan3A_9, %dma_wait3A] : memref<125x80xi32, #tpu.memory_space<vmem>> -> memref<1x80xi32, #tpu.memory_space<vmem>>
      %dma_wait3A_16 = tpu.memref_squeeze %dma_wait3A_15 : memref<1x80xi32, #tpu.memory_space<vmem>> -> memref<80xi32, #tpu.memory_space<vmem>>
      %dma_wait3A_17 = arith.constant 0 : i32
      %dma_wait3A_18 = arith.constant 0 : i32
      %dma_wait3A_19 = tpu.memref_slice %arg2[%dma_wait3A_17, %dma_wait3A_18] : memref<10000x128xf32, #tpu.memory_space<hbm>> -> memref<10000x128xf32, #tpu.memory_space<hbm>>
      tpu.wait_indirect_dma semaphore(%arg11 : memref<!tpu.dma_semaphore, #tpu.memory_space<semaphore_mem>>) src(%dma_wait3A_19 : memref<10000x128xf32, #tpu.memory_space<hbm>>) dst(%arg9 : memref<80x128xf32, #tpu.memory_space<vmem>>)
      "tpu.region"() ({
        %run_scoped3A = tpu.sem_alloc : memref<!tpu.dma_semaphore, #tpu.memory_space<semaphore_mem>>
        %dma_start3A_20 = arith.constant 0 : i32
        %dma_start3A_21 = tpu.memref_slice %arg8[%scan3A_9, %dma_start3A_20] : memref<125x80xi32, #tpu.memory_space<vmem>> -> memref<1x80xi32, #tpu.memory_space<vmem>>
        %dma_start3A_22 = tpu.memref_squeeze %dma_start3A_21 : memref<1x80xi32, #tpu.memory_space<vmem>> -> memref<80xi32, #tpu.memory_space<vmem>>
        %dma_start3A_23 = arith.constant 0 : i32
        %dma_start3A_24 = arith.constant 0 : i32
        %dma_start3A_25 = tpu.memref_slice %arg10[%dma_start3A_23, %dma_start3A_24] : memref<10112x128xf32, #tpu.memory_space<vmem_shared>> -> memref<10112x128xf32, #tpu.memory_space<vmem_shared>>
        tpu.enqueue_indirect_dma source(%arg9 : memref<80x128xf32, #tpu.memory_space<vmem>>) target(%dma_start3A_25 : memref<10112x128xf32, #tpu.memory_space<vmem_shared>>) offsets(%dma_start3A_22 : memref<80xi32, #tpu.memory_space<vmem>>) semaphore(%run_scoped3A : memref<!tpu.dma_semaphore, #tpu.memory_space<semaphore_mem>>) {add = true}
        %dma_wait3A_26 = arith.constant 0 : i32
        %dma_wait3A_27 = tpu.memref_slice %arg8[%scan3A_9, %dma_wait3A_26] : memref<125x80xi32, #tpu.memory_space<vmem>> -> memref<1x80xi32, #tpu.memory_space<vmem>>
        %dma_wait3A_28 = tpu.memref_squeeze %dma_wait3A_27 : memref<1x80xi32, #tpu.memory_space<vmem>> -> memref<80xi32, #tpu.memory_space<vmem>>
        %dma_wait3A_29 = arith.constant 0 : i32
        %dma_wait3A_30 = arith.constant 0 : i32
        %dma_wait3A_31 = tpu.memref_slice %arg10[%dma_wait3A_29, %dma_wait3A_30] : memref<10112x128xf32, #tpu.memory_space<vmem_shared>> -> memref<10112x128xf32, #tpu.memory_space<vmem_shared>>
        tpu.wait_indirect_dma semaphore(%run_scoped3A : memref<!tpu.dma_semaphore, #tpu.memory_space<semaphore_mem>>) src(%arg9 : memref<80x128xf32, #tpu.memory_space<vmem>>) dst(%dma_wait3A_31 : memref<10112x128xf32, #tpu.memory_space<vmem_shared>>)
        tpu.yield
      }) : () -> ()
    }
    %scan3A_7 = arith.constant 125 : i32
    %barrier3A_8 = arith.constant 0 : index
    tpu.barrier barrier_id(%barrier3A_8)
    "tpu.region"() ({
      %run_scoped3A = tpu.sem_alloc : memref<!tpu.dma_semaphore, #tpu.memory_space<semaphore_mem>>
      %dma_start3A = arith.constant 0 : i32
      %dma_start3A_9 = arith.constant 0 : i32
      %dma_start3A_10 = tpu.memref_slice %arg6[%arg0, %arg1, %dma_start3A, %dma_start3A_9] : memref<2x16x632x128xf32, #tpu.memory_space<hbm>> -> memref<1x1x632x128xf32, #tpu.memory_space<hbm>>
      %dma_start3A_11 = tpu.memref_squeeze %dma_start3A_10 : memref<1x1x632x128xf32, #tpu.memory_space<hbm>> -> memref<632x128xf32, #tpu.memory_space<hbm>>
      %dma_start3A_12 = arith.constant 0 : i32
      %dma_start3A_13 = tpu.memref_slice %arg10[%mul3A_2, %dma_start3A_12] : memref<10112x128xf32, #tpu.memory_space<vmem_shared>> -> memref<632x128xf32, #tpu.memory_space<vmem_shared>>
      tpu.enqueue_dma source(%dma_start3A_13 : memref<632x128xf32, #tpu.memory_space<vmem_shared>>) target(%dma_start3A_11 : memref<632x128xf32, #tpu.memory_space<hbm>>) target_semaphore(%run_scoped3A : memref<!tpu.dma_semaphore, #tpu.memory_space<semaphore_mem>>)
      %dma_wait3A = arith.constant 0 : i32
      %dma_wait3A_14 = arith.constant 0 : i32
      %dma_wait3A_15 = tpu.memref_slice %arg6[%arg0, %arg1, %dma_wait3A, %dma_wait3A_14] : memref<2x16x632x128xf32, #tpu.memory_space<hbm>> -> memref<1x1x632x128xf32, #tpu.memory_space<hbm>>
      %dma_wait3A_16 = tpu.memref_squeeze %dma_wait3A_15 : memref<1x1x632x128xf32, #tpu.memory_space<hbm>> -> memref<632x128xf32, #tpu.memory_space<hbm>>
      %dma_wait3A_17 = arith.constant 0 : i32
      %dma_wait3A_18 = tpu.memref_slice %arg10[%mul3A_2, %dma_wait3A_17] : memref<10112x128xf32, #tpu.memory_space<vmem_shared>> -> memref<632x128xf32, #tpu.memory_space<vmem_shared>>
      tpu.wait_dma2 semaphore(%run_scoped3A : memref<!tpu.dma_semaphore, #tpu.memory_space<semaphore_mem>>) src(%dma_wait3A_18 : memref<632x128xf32, #tpu.memory_space<vmem_shared>>) dst(%dma_wait3A_16 : memref<632x128xf32, #tpu.memory_space<hbm>>)
      tpu.yield
    }) : () -> ()
    return
  }
}

#map = affine_map<(d0, d1) -> (0, 0, 0)>
#map1 = affine_map<(d0, d1) -> (0, 0)>
#map2 = affine_map<(d0, d1) -> (0, 0, 0, 0)>
module attributes {stable_mosaic.version = 14 : i64} {
  func.func @kern(%arg0: i32, %arg1: i32, %arg2: memref<32x125x80xi32, #tpu.memory_space<hbm>>, %arg3: memref<80x128xf32, #tpu.memory_space<hbm>>, %arg4: memref<632x128xf32, #tpu.memory_space<hbm>>, %arg5: memref<2x16x632x128xf32, #tpu.memory_space<hbm>>, %arg6: memref<125x80xi32, #tpu.memory_space<vmem>>, %arg7: memref<80x128xf32, #tpu.memory_space<vmem>>, %arg8: memref<10112x128xf32, #tpu.memory_space<vmem_shared>>, %arg9: memref<!tpu.dma_semaphore, #tpu.memory_space<semaphore_mem>>) attributes {dimension_semantics = [#tpu.dimension_semantics<core_parallel>, #tpu.dimension_semantics<subcore_parallel>], iteration_bounds = array<i64: 2, 16>, scalar_prefetch = 0 : i64, scratch_operands = 4 : i64, tpu.core_type = #tpu.core_type<sc_vector_subcore>, window_params = [{transform_indices = #map}, {transform_indices = #map1}, {transform_indices = #map1}, {transform_indices = #map2}]} {
    %mul3A = arith.constant 2 : i32
    %mul3A_0 = arith.muli %arg1, %mul3A : i32
    %add3A = arith.addi %mul3A_0, %arg0 : i32
    "tpu.region"() ({
      %run_scoped3A = tpu.sem_alloc : memref<!tpu.dma_semaphore, #tpu.memory_space<semaphore_mem>>
      %dma_start3A = arith.constant 0 : i32
      %dma_start3A_9 = arith.constant 0 : i32
      %dma_start3A_10 = tpu.memref_slice %arg2[%add3A, %dma_start3A, %dma_start3A_9] : memref<32x125x80xi32, #tpu.memory_space<hbm>> -> memref<1x125x80xi32, #tpu.memory_space<hbm>>
      %dma_start3A_11 = tpu.memref_squeeze %dma_start3A_10 : memref<1x125x80xi32, #tpu.memory_space<hbm>> -> memref<125x80xi32, #tpu.memory_space<hbm>>
      %dma_start3A_12 = arith.constant 0 : i32
      %dma_start3A_13 = arith.constant 0 : i32
      %dma_start3A_14 = tpu.memref_slice %arg2[%add3A, %dma_start3A_12, %dma_start3A_13] : memref<32x125x80xi32, #tpu.memory_space<hbm>> -> memref<1x125x80xi32, #tpu.memory_space<hbm>>
      %dma_start3A_15 = tpu.memref_squeeze %dma_start3A_14 : memref<1x125x80xi32, #tpu.memory_space<hbm>> -> memref<125x80xi32, #tpu.memory_space<hbm>>
      tpu.enqueue_dma source(%dma_start3A_15 : memref<125x80xi32, #tpu.memory_space<hbm>>) target(%arg6 : memref<125x80xi32, #tpu.memory_space<vmem>>) target_semaphore(%run_scoped3A : memref<!tpu.dma_semaphore, #tpu.memory_space<semaphore_mem>>)
      %dma_wait3A = arith.constant 0 : i32
      %dma_wait3A_16 = arith.constant 0 : i32
      %dma_wait3A_17 = tpu.memref_slice %arg2[%add3A, %dma_wait3A, %dma_wait3A_16] : memref<32x125x80xi32, #tpu.memory_space<hbm>> -> memref<1x125x80xi32, #tpu.memory_space<hbm>>
      %dma_wait3A_18 = tpu.memref_squeeze %dma_wait3A_17 : memref<1x125x80xi32, #tpu.memory_space<hbm>> -> memref<125x80xi32, #tpu.memory_space<hbm>>
      %dma_wait3A_19 = arith.constant 0 : i32
      %dma_wait3A_20 = arith.constant 0 : i32
      %dma_wait3A_21 = tpu.memref_slice %arg2[%add3A, %dma_wait3A_19, %dma_wait3A_20] : memref<32x125x80xi32, #tpu.memory_space<hbm>> -> memref<1x125x80xi32, #tpu.memory_space<hbm>>
      %dma_wait3A_22 = tpu.memref_squeeze %dma_wait3A_21 : memref<1x125x80xi32, #tpu.memory_space<hbm>> -> memref<125x80xi32, #tpu.memory_space<hbm>>
      tpu.wait_dma2 semaphore(%run_scoped3A : memref<!tpu.dma_semaphore, #tpu.memory_space<semaphore_mem>>) src(%dma_wait3A_22 : memref<125x80xi32, #tpu.memory_space<hbm>>) dst(%arg6 : memref<125x80xi32, #tpu.memory_space<vmem>>)
      tpu.yield
    }) : () -> ()
    "tpu.region"() ({
      %run_scoped3A = tpu.sem_alloc : memref<!tpu.dma_semaphore, #tpu.memory_space<semaphore_mem>>
      tpu.enqueue_dma source(%arg3 : memref<80x128xf32, #tpu.memory_space<hbm>>) target(%arg7 : memref<80x128xf32, #tpu.memory_space<vmem>>) target_semaphore(%run_scoped3A : memref<!tpu.dma_semaphore, #tpu.memory_space<semaphore_mem>>)
      tpu.wait_dma2 semaphore(%run_scoped3A : memref<!tpu.dma_semaphore, #tpu.memory_space<semaphore_mem>>) src(%arg3 : memref<80x128xf32, #tpu.memory_space<hbm>>) dst(%arg7 : memref<80x128xf32, #tpu.memory_space<vmem>>)
      tpu.yield
    }) : () -> ()
    %mul3A_1 = arith.constant 632 : i32
    %mul3A_2 = arith.muli %arg1, %mul3A_1 : i32
    "tpu.region"() ({
      %run_scoped3A = tpu.sem_alloc : memref<!tpu.dma_semaphore, #tpu.memory_space<semaphore_mem>>
      %dma_start3A = arith.constant 0 : i32
      %dma_start3A_9 = tpu.memref_slice %arg8[%mul3A_2, %dma_start3A] : memref<10112x128xf32, #tpu.memory_space<vmem_shared>> -> memref<632x128xf32, #tpu.memory_space<vmem_shared>>
      tpu.enqueue_dma source(%arg4 : memref<632x128xf32, #tpu.memory_space<hbm>>) target(%dma_start3A_9 : memref<632x128xf32, #tpu.memory_space<vmem_shared>>) target_semaphore(%run_scoped3A : memref<!tpu.dma_semaphore, #tpu.memory_space<semaphore_mem>>)
      %dma_wait3A = arith.constant 0 : i32
      %dma_wait3A_10 = tpu.memref_slice %arg8[%mul3A_2, %dma_wait3A] : memref<10112x128xf32, #tpu.memory_space<vmem_shared>> -> memref<632x128xf32, #tpu.memory_space<vmem_shared>>
      tpu.wait_dma2 semaphore(%run_scoped3A : memref<!tpu.dma_semaphore, #tpu.memory_space<semaphore_mem>>) src(%arg4 : memref<632x128xf32, #tpu.memory_space<hbm>>) dst(%dma_wait3A_10 : memref<632x128xf32, #tpu.memory_space<vmem_shared>>)
      tpu.yield
    }) : () -> ()
    %barrier3A = arith.constant 0 : index
    tpu.barrier barrier_id(%barrier3A)
    %scan3A = arith.constant 0 : i32
    %scan3A_3 = arith.constant 0 : i32
    %scan3A_4 = arith.constant 125 : i32
    %scan3A_5 = arith.addi %scan3A_3, %scan3A_4 : i32
    %scan3A_6 = arith.constant 1 : i32
    scf.for %scan3A_9 = %scan3A_3 to %scan3A_5 step %scan3A_6  : i32 {
      "tpu.region"() ({
        %run_scoped3A = tpu.sem_alloc : memref<!tpu.dma_semaphore, #tpu.memory_space<semaphore_mem>>
        %dma_start3A = arith.constant 0 : i32
        %dma_start3A_10 = tpu.memref_slice %arg6[%scan3A_9, %dma_start3A] : memref<125x80xi32, #tpu.memory_space<vmem>> -> memref<1x80xi32, #tpu.memory_space<vmem>>
        %dma_start3A_11 = tpu.memref_squeeze %dma_start3A_10 : memref<1x80xi32, #tpu.memory_space<vmem>> -> memref<80xi32, #tpu.memory_space<vmem>>
        %dma_start3A_12 = arith.constant 0 : i32
        %dma_start3A_13 = arith.constant 0 : i32
        %dma_start3A_14 = tpu.memref_slice %arg8[%dma_start3A_12, %dma_start3A_13] : memref<10112x128xf32, #tpu.memory_space<vmem_shared>> -> memref<10112x128xf32, #tpu.memory_space<vmem_shared>>
        tpu.enqueue_indirect_dma source(%arg7 : memref<80x128xf32, #tpu.memory_space<vmem>>) target(%dma_start3A_14 : memref<10112x128xf32, #tpu.memory_space<vmem_shared>>) offsets(%dma_start3A_11 : memref<80xi32, #tpu.memory_space<vmem>>) semaphore(%run_scoped3A : memref<!tpu.dma_semaphore, #tpu.memory_space<semaphore_mem>>) {add = true}
        %dma_wait3A = arith.constant 0 : i32
        %dma_wait3A_15 = tpu.memref_slice %arg6[%scan3A_9, %dma_wait3A] : memref<125x80xi32, #tpu.memory_space<vmem>> -> memref<1x80xi32, #tpu.memory_space<vmem>>
        %dma_wait3A_16 = tpu.memref_squeeze %dma_wait3A_15 : memref<1x80xi32, #tpu.memory_space<vmem>> -> memref<80xi32, #tpu.memory_space<vmem>>
        %dma_wait3A_17 = arith.constant 0 : i32
        %dma_wait3A_18 = arith.constant 0 : i32
        %dma_wait3A_19 = tpu.memref_slice %arg8[%dma_wait3A_17, %dma_wait3A_18] : memref<10112x128xf32, #tpu.memory_space<vmem_shared>> -> memref<10112x128xf32, #tpu.memory_space<vmem_shared>>
        tpu.wait_indirect_dma semaphore(%run_scoped3A : memref<!tpu.dma_semaphore, #tpu.memory_space<semaphore_mem>>) src(%arg7 : memref<80x128xf32, #tpu.memory_space<vmem>>) dst(%dma_wait3A_19 : memref<10112x128xf32, #tpu.memory_space<vmem_shared>>)
        tpu.yield
      }) : () -> ()
    }
    %scan3A_7 = arith.constant 125 : i32
    %barrier3A_8 = arith.constant 0 : index
    tpu.barrier barrier_id(%barrier3A_8)
    "tpu.region"() ({
      %run_scoped3A = tpu.sem_alloc : memref<!tpu.dma_semaphore, #tpu.memory_space<semaphore_mem>>
      %dma_start3A = arith.constant 0 : i32
      %dma_start3A_9 = arith.constant 0 : i32
      %dma_start3A_10 = tpu.memref_slice %arg5[%arg0, %arg1, %dma_start3A, %dma_start3A_9] : memref<2x16x632x128xf32, #tpu.memory_space<hbm>> -> memref<1x1x632x128xf32, #tpu.memory_space<hbm>>
      %dma_start3A_11 = tpu.memref_squeeze %dma_start3A_10 : memref<1x1x632x128xf32, #tpu.memory_space<hbm>> -> memref<632x128xf32, #tpu.memory_space<hbm>>
      %dma_start3A_12 = arith.constant 0 : i32
      %dma_start3A_13 = tpu.memref_slice %arg8[%mul3A_2, %dma_start3A_12] : memref<10112x128xf32, #tpu.memory_space<vmem_shared>> -> memref<632x128xf32, #tpu.memory_space<vmem_shared>>
      tpu.enqueue_dma source(%dma_start3A_13 : memref<632x128xf32, #tpu.memory_space<vmem_shared>>) target(%dma_start3A_11 : memref<632x128xf32, #tpu.memory_space<hbm>>) target_semaphore(%run_scoped3A : memref<!tpu.dma_semaphore, #tpu.memory_space<semaphore_mem>>)
      %dma_wait3A = arith.constant 0 : i32
      %dma_wait3A_14 = arith.constant 0 : i32
      %dma_wait3A_15 = tpu.memref_slice %arg5[%arg0, %arg1, %dma_wait3A, %dma_wait3A_14] : memref<2x16x632x128xf32, #tpu.memory_space<hbm>> -> memref<1x1x632x128xf32, #tpu.memory_space<hbm>>
      %dma_wait3A_16 = tpu.memref_squeeze %dma_wait3A_15 : memref<1x1x632x128xf32, #tpu.memory_space<hbm>> -> memref<632x128xf32, #tpu.memory_space<hbm>>
      %dma_wait3A_17 = arith.constant 0 : i32
      %dma_wait3A_18 = tpu.memref_slice %arg8[%mul3A_2, %dma_wait3A_17] : memref<10112x128xf32, #tpu.memory_space<vmem_shared>> -> memref<632x128xf32, #tpu.memory_space<vmem_shared>>
      tpu.wait_dma2 semaphore(%run_scoped3A : memref<!tpu.dma_semaphore, #tpu.memory_space<semaphore_mem>>) src(%dma_wait3A_18 : memref<632x128xf32, #tpu.memory_space<vmem_shared>>) dst(%dma_wait3A_16 : memref<632x128xf32, #tpu.memory_space<hbm>>)
      tpu.yield
    }) : () -> ()
    return
  }
}

#map = affine_map<(d0, d1) -> (0, 0)>
#map1 = affine_map<(d0, d1) -> (0, 0, 0)>
#map2 = affine_map<(d0, d1) -> (0, 0, 0, 0)>
module attributes {stable_mosaic.version = 14 : i64} {
  func.func @kern(%arg0: i32, %arg1: i32, %arg2: memref<10000x128xf32, #tpu.memory_space<hbm>>, %arg3: memref<32x125x80xi32, #tpu.memory_space<hbm>>, %arg4: memref<32x125x80xi32, #tpu.memory_space<hbm>>, %arg5: memref<632x128xf32, #tpu.memory_space<hbm>>, %arg6: memref<2x16x632x128xf32, #tpu.memory_space<hbm>>, %arg7: memref<125x80xi32, #tpu.memory_space<vmem>>, %arg8: memref<125x80xi32, #tpu.memory_space<vmem>>, %arg9: memref<80x128xf32, #tpu.memory_space<vmem>>, %arg10: memref<10112x128xf32, #tpu.memory_space<vmem_shared>>, %arg11: memref<!tpu.dma_semaphore, #tpu.memory_space<semaphore_mem>>) attributes {dimension_semantics = [#tpu.dimension_semantics<core_parallel>, #tpu.dimension_semantics<subcore_parallel>], iteration_bounds = array<i64: 2, 16>, scalar_prefetch = 0 : i64, scratch_operands = 5 : i64, tpu.core_type = #tpu.core_type<sc_vector_subcore>, window_params = [{transform_indices = #map}, {transform_indices = #map1}, {transform_indices = #map1}, {transform_indices = #map}, {transform_indices = #map2}]} {
    %mul3A = arith.constant 2 : i32
    %mul3A_0 = arith.muli %arg1, %mul3A : i32
    %add3A = arith.addi %mul3A_0, %arg0 : i32
    "tpu.region"() ({
      %run_scoped3A = tpu.sem_alloc : memref<!tpu.dma_semaphore, #tpu.memory_space<semaphore_mem>>
      %dma_start3A = arith.constant 0 : i32
      %dma_start3A_9 = arith.constant 0 : i32
      %dma_start3A_10 = tpu.memref_slice %arg3[%add3A, %dma_start3A, %dma_start3A_9] : memref<32x125x80xi32, #tpu.memory_space<hbm>> -> memref<1x125x80xi32, #tpu.memory_space<hbm>>
      %dma_start3A_11 = tpu.memref_squeeze %dma_start3A_10 : memref<1x125x80xi32, #tpu.memory_space<hbm>> -> memref<125x80xi32, #tpu.memory_space<hbm>>
      %dma_start3A_12 = arith.constant 0 : i32
      %dma_start3A_13 = arith.constant 0 : i32
      %dma_start3A_14 = tpu.memref_slice %arg3[%add3A, %dma_start3A_12, %dma_start3A_13] : memref<32x125x80xi32, #tpu.memory_space<hbm>> -> memref<1x125x80xi32, #tpu.memory_space<hbm>>
      %dma_start3A_15 = tpu.memref_squeeze %dma_start3A_14 : memref<1x125x80xi32, #tpu.memory_space<hbm>> -> memref<125x80xi32, #tpu.memory_space<hbm>>
      tpu.enqueue_dma source(%dma_start3A_15 : memref<125x80xi32, #tpu.memory_space<hbm>>) target(%arg7 : memref<125x80xi32, #tpu.memory_space<vmem>>) target_semaphore(%run_scoped3A : memref<!tpu.dma_semaphore, #tpu.memory_space<semaphore_mem>>)
      %dma_wait3A = arith.constant 0 : i32
      %dma_wait3A_16 = arith.constant 0 : i32
      %dma_wait3A_17 = tpu.memref_slice %arg3[%add3A, %dma_wait3A, %dma_wait3A_16] : memref<32x125x80xi32, #tpu.memory_space<hbm>> -> memref<1x125x80xi32, #tpu.memory_space<hbm>>
      %dma_wait3A_18 = tpu.memref_squeeze %dma_wait3A_17 : memref<1x125x80xi32, #tpu.memory_space<hbm>> -> memref<125x80xi32, #tpu.memory_space<hbm>>
      %dma_wait3A_19 = arith.constant 0 : i32
      %dma_wait3A_20 = arith.constant 0 : i32
      %dma_wait3A_21 = tpu.memref_slice %arg3[%add3A, %dma_wait3A_19, %dma_wait3A_20] : memref<32x125x80xi32, #tpu.memory_space<hbm>> -> memref<1x125x80xi32, #tpu.memory_space<hbm>>
      %dma_wait3A_22 = tpu.memref_squeeze %dma_wait3A_21 : memref<1x125x80xi32, #tpu.memory_space<hbm>> -> memref<125x80xi32, #tpu.memory_space<hbm>>
      tpu.wait_dma2 semaphore(%run_scoped3A : memref<!tpu.dma_semaphore, #tpu.memory_space<semaphore_mem>>) src(%dma_wait3A_22 : memref<125x80xi32, #tpu.memory_space<hbm>>) dst(%arg7 : memref<125x80xi32, #tpu.memory_space<vmem>>)
      tpu.yield
    }) : () -> ()
    "tpu.region"() ({
      %run_scoped3A = tpu.sem_alloc : memref<!tpu.dma_semaphore, #tpu.memory_space<semaphore_mem>>
      %dma_start3A = arith.constant 0 : i32
      %dma_start3A_9 = arith.constant 0 : i32
      %dma_start3A_10 = tpu.memref_slice %arg4[%add3A, %dma_start3A, %dma_start3A_9] : memref<32x125x80xi32, #tpu.memory_space<hbm>> -> memref<1x125x80xi32, #tpu.memory_space<hbm>>
      %dma_start3A_11 = tpu.memref_squeeze %dma_start3A_10 : memref<1x125x80xi32, #tpu.memory_space<hbm>> -> memref<125x80xi32, #tpu.memory_space<hbm>>
      %dma_start3A_12 = arith.constant 0 : i32
      %dma_start3A_13 = arith.constant 0 : i32
      %dma_start3A_14 = tpu.memref_slice %arg4[%add3A, %dma_start3A_12, %dma_start3A_13] : memref<32x125x80xi32, #tpu.memory_space<hbm>> -> memref<1x125x80xi32, #tpu.memory_space<hbm>>
      %dma_start3A_15 = tpu.memref_squeeze %dma_start3A_14 : memref<1x125x80xi32, #tpu.memory_space<hbm>> -> memref<125x80xi32, #tpu.memory_space<hbm>>
      tpu.enqueue_dma source(%dma_start3A_15 : memref<125x80xi32, #tpu.memory_space<hbm>>) target(%arg8 : memref<125x80xi32, #tpu.memory_space<vmem>>) target_semaphore(%run_scoped3A : memref<!tpu.dma_semaphore, #tpu.memory_space<semaphore_mem>>)
      %dma_wait3A = arith.constant 0 : i32
      %dma_wait3A_16 = arith.constant 0 : i32
      %dma_wait3A_17 = tpu.memref_slice %arg4[%add3A, %dma_wait3A, %dma_wait3A_16] : memref<32x125x80xi32, #tpu.memory_space<hbm>> -> memref<1x125x80xi32, #tpu.memory_space<hbm>>
      %dma_wait3A_18 = tpu.memref_squeeze %dma_wait3A_17 : memref<1x125x80xi32, #tpu.memory_space<hbm>> -> memref<125x80xi32, #tpu.memory_space<hbm>>
      %dma_wait3A_19 = arith.constant 0 : i32
      %dma_wait3A_20 = arith.constant 0 : i32
      %dma_wait3A_21 = tpu.memref_slice %arg4[%add3A, %dma_wait3A_19, %dma_wait3A_20] : memref<32x125x80xi32, #tpu.memory_space<hbm>> -> memref<1x125x80xi32, #tpu.memory_space<hbm>>
      %dma_wait3A_22 = tpu.memref_squeeze %dma_wait3A_21 : memref<1x125x80xi32, #tpu.memory_space<hbm>> -> memref<125x80xi32, #tpu.memory_space<hbm>>
      tpu.wait_dma2 semaphore(%run_scoped3A : memref<!tpu.dma_semaphore, #tpu.memory_space<semaphore_mem>>) src(%dma_wait3A_22 : memref<125x80xi32, #tpu.memory_space<hbm>>) dst(%arg8 : memref<125x80xi32, #tpu.memory_space<vmem>>)
      tpu.yield
    }) : () -> ()
    %mul3A_1 = arith.constant 632 : i32
    %mul3A_2 = arith.muli %arg1, %mul3A_1 : i32
    "tpu.region"() ({
      %run_scoped3A = tpu.sem_alloc : memref<!tpu.dma_semaphore, #tpu.memory_space<semaphore_mem>>
      %dma_start3A = arith.constant 0 : i32
      %dma_start3A_9 = tpu.memref_slice %arg10[%mul3A_2, %dma_start3A] : memref<10112x128xf32, #tpu.memory_space<vmem_shared>> -> memref<632x128xf32, #tpu.memory_space<vmem_shared>>
      tpu.enqueue_dma source(%arg5 : memref<632x128xf32, #tpu.memory_space<hbm>>) target(%dma_start3A_9 : memref<632x128xf32, #tpu.memory_space<vmem_shared>>) target_semaphore(%run_scoped3A : memref<!tpu.dma_semaphore, #tpu.memory_space<semaphore_mem>>)
      %dma_wait3A = arith.constant 0 : i32
      %dma_wait3A_10 = tpu.memref_slice %arg10[%mul3A_2, %dma_wait3A] : memref<10112x128xf32, #tpu.memory_space<vmem_shared>> -> memref<632x128xf32, #tpu.memory_space<vmem_shared>>
      tpu.wait_dma2 semaphore(%run_scoped3A : memref<!tpu.dma_semaphore, #tpu.memory_space<semaphore_mem>>) src(%arg5 : memref<632x128xf32, #tpu.memory_space<hbm>>) dst(%dma_wait3A_10 : memref<632x128xf32, #tpu.memory_space<vmem_shared>>)
      tpu.yield
    }) : () -> ()
    %barrier3A = arith.constant 0 : index
    tpu.barrier barrier_id(%barrier3A)
    %scan3A = arith.constant 0 : i32
    %scan3A_3 = arith.constant 0 : i32
    %scan3A_4 = arith.constant 125 : i32
    %scan3A_5 = arith.addi %scan3A_3, %scan3A_4 : i32
    %scan3A_6 = arith.constant 1 : i32
    scf.for %scan3A_9 = %scan3A_3 to %scan3A_5 step %scan3A_6  : i32 {
      %dma_start3A = arith.constant 0 : i32
      %dma_start3A_10 = tpu.memref_slice %arg7[%scan3A_9, %dma_start3A] : memref<125x80xi32, #tpu.memory_space<vmem>> -> memref<1x80xi32, #tpu.memory_space<vmem>>
      %dma_start3A_11 = tpu.memref_squeeze %dma_start3A_10 : memref<1x80xi32, #tpu.memory_space<vmem>> -> memref<80xi32, #tpu.memory_space<vmem>>
      %dma_start3A_12 = arith.constant 0 : i32
      %dma_start3A_13 = arith.constant 0 : i32
      %dma_start3A_14 = tpu.memref_slice %arg2[%dma_start3A_12, %dma_start3A_13] : memref<10000x128xf32, #tpu.memory_space<hbm>> -> memref<10000x128xf32, #tpu.memory_space<hbm>>
      tpu.enqueue_indirect_dma source(%dma_start3A_14 : memref<10000x128xf32, #tpu.memory_space<hbm>>) target(%arg9 : memref<80x128xf32, #tpu.memory_space<vmem>>) offsets(%dma_start3A_11 : memref<80xi32, #tpu.memory_space<vmem>>) semaphore(%arg11 : memref<!tpu.dma_semaphore, #tpu.memory_space<semaphore_mem>>)
      %dma_wait3A = arith.constant 0 : i32
      %dma_wait3A_15 = tpu.memref_slice %arg7[%scan3A_9, %dma_wait3A] : memref<125x80xi32, #tpu.memory_space<vmem>> -> memref<1x80xi32, #tpu.memory_space<vmem>>
      %dma_wait3A_16 = tpu.memref_squeeze %dma_wait3A_15 : memref<1x80xi32, #tpu.memory_space<vmem>> -> memref<80xi32, #tpu.memory_space<vmem>>
      %dma_wait3A_17 = arith.constant 0 : i32
      %dma_wait3A_18 = arith.constant 0 : i32
      %dma_wait3A_19 = tpu.memref_slice %arg2[%dma_wait3A_17, %dma_wait3A_18] : memref<10000x128xf32, #tpu.memory_space<hbm>> -> memref<10000x128xf32, #tpu.memory_space<hbm>>
      tpu.wait_indirect_dma semaphore(%arg11 : memref<!tpu.dma_semaphore, #tpu.memory_space<semaphore_mem>>) src(%dma_wait3A_19 : memref<10000x128xf32, #tpu.memory_space<hbm>>) dst(%arg9 : memref<80x128xf32, #tpu.memory_space<vmem>>)
      "tpu.region"() ({
        %run_scoped3A = tpu.sem_alloc : memref<!tpu.dma_semaphore, #tpu.memory_space<semaphore_mem>>
        %dma_start3A_20 = arith.constant 0 : i32
        %dma_start3A_21 = tpu.memref_slice %arg8[%scan3A_9, %dma_start3A_20] : memref<125x80xi32, #tpu.memory_space<vmem>> -> memref<1x80xi32, #tpu.memory_space<vmem>>
        %dma_start3A_22 = tpu.memref_squeeze %dma_start3A_21 : memref<1x80xi32, #tpu.memory_space<vmem>> -> memref<80xi32, #tpu.memory_space<vmem>>
        %dma_start3A_23 = arith.constant 0 : i32
        %dma_start3A_24 = arith.constant 0 : i32
        %dma_start3A_25 = tpu.memref_slice %arg10[%dma_start3A_23, %dma_start3A_24] : memref<10112x128xf32, #tpu.memory_space<vmem_shared>> -> memref<10112x128xf32, #tpu.memory_space<vmem_shared>>
        tpu.enqueue_indirect_dma source(%arg9 : memref<80x128xf32, #tpu.memory_space<vmem>>) target(%dma_start3A_25 : memref<10112x128xf32, #tpu.memory_space<vmem_shared>>) offsets(%dma_start3A_22 : memref<80xi32, #tpu.memory_space<vmem>>) semaphore(%run_scoped3A : memref<!tpu.dma_semaphore, #tpu.memory_space<semaphore_mem>>) {add = true}
        %dma_wait3A_26 = arith.constant 0 : i32
        %dma_wait3A_27 = tpu.memref_slice %arg8[%scan3A_9, %dma_wait3A_26] : memref<125x80xi32, #tpu.memory_space<vmem>> -> memref<1x80xi32, #tpu.memory_space<vmem>>
        %dma_wait3A_28 = tpu.memref_squeeze %dma_wait3A_27 : memref<1x80xi32, #tpu.memory_space<vmem>> -> memref<80xi32, #tpu.memory_space<vmem>>
        %dma_wait3A_29 = arith.constant 0 : i32
        %dma_wait3A_30 = arith.constant 0 : i32
        %dma_wait3A_31 = tpu.memref_slice %arg10[%dma_wait3A_29, %dma_wait3A_30] : memref<10112x128xf32, #tpu.memory_space<vmem_shared>> -> memref<10112x128xf32, #tpu.memory_space<vmem_shared>>
        tpu.wait_indirect_dma semaphore(%run_scoped3A : memref<!tpu.dma_semaphore, #tpu.memory_space<semaphore_mem>>) src(%arg9 : memref<80x128xf32, #tpu.memory_space<vmem>>) dst(%dma_wait3A_31 : memref<10112x128xf32, #tpu.memory_space<vmem_shared>>)
        tpu.yield
      }) : () -> ()
    }
    %scan3A_7 = arith.constant 125 : i32
    %barrier3A_8 = arith.constant 0 : index
    tpu.barrier barrier_id(%barrier3A_8)
    "tpu.region"() ({
      %run_scoped3A = tpu.sem_alloc : memref<!tpu.dma_semaphore, #tpu.memory_space<semaphore_mem>>
      %dma_start3A = arith.constant 0 : i32
      %dma_start3A_9 = arith.constant 0 : i32
      %dma_start3A_10 = tpu.memref_slice %arg6[%arg0, %arg1, %dma_start3A, %dma_start3A_9] : memref<2x16x632x128xf32, #tpu.memory_space<hbm>> -> memref<1x1x632x128xf32, #tpu.memory_space<hbm>>
      %dma_start3A_11 = tpu.memref_squeeze %dma_start3A_10 : memref<1x1x632x128xf32, #tpu.memory_space<hbm>> -> memref<632x128xf32, #tpu.memory_space<hbm>>
      %dma_start3A_12 = arith.constant 0 : i32
      %dma_start3A_13 = tpu.memref_slice %arg10[%mul3A_2, %dma_start3A_12] : memref<10112x128xf32, #tpu.memory_space<vmem_shared>> -> memref<632x128xf32, #tpu.memory_space<vmem_shared>>
      tpu.enqueue_dma source(%dma_start3A_13 : memref<632x128xf32, #tpu.memory_space<vmem_shared>>) target(%dma_start3A_11 : memref<632x128xf32, #tpu.memory_space<hbm>>) target_semaphore(%run_scoped3A : memref<!tpu.dma_semaphore, #tpu.memory_space<semaphore_mem>>)
      %dma_wait3A = arith.constant 0 : i32
      %dma_wait3A_14 = arith.constant 0 : i32
      %dma_wait3A_15 = tpu.memref_slice %arg6[%arg0, %arg1, %dma_wait3A, %dma_wait3A_14] : memref<2x16x632x128xf32, #tpu.memory_space<hbm>> -> memref<1x1x632x128xf32, #tpu.memory_space<hbm>>
      %dma_wait3A_16 = tpu.memref_squeeze %dma_wait3A_15 : memref<1x1x632x128xf32, #tpu.memory_space<hbm>> -> memref<632x128xf32, #tpu.memory_space<hbm>>
      %dma_wait3A_17 = arith.constant 0 : i32
      %dma_wait3A_18 = tpu.memref_slice %arg10[%mul3A_2, %dma_wait3A_17] : memref<10112x128xf32, #tpu.memory_space<vmem_shared>> -> memref<632x128xf32, #tpu.memory_space<vmem_shared>>
      tpu.wait_dma2 semaphore(%run_scoped3A : memref<!tpu.dma_semaphore, #tpu.memory_space<semaphore_mem>>) src(%dma_wait3A_18 : memref<632x128xf32, #tpu.memory_space<vmem_shared>>) dst(%dma_wait3A_16 : memref<632x128xf32, #tpu.memory_space<hbm>>)
      tpu.yield
    }) : () -> ()
    return
  }
}

module attributes {stable_mosaic.version = 14 : i64} {
  func.func @_tc1_body(%arg0: memref<2x10000x8xf32, #tpu.memory_space<vmem>>, %arg1: memref<10000x128xf32, #tpu.memory_space<vmem>>, %arg2: memref<128x128xf32, #tpu.memory_space<vmem>>, %arg3: memref<10000x128xf32, #tpu.memory_space<vmem>>, %arg4: memref<10000x1xf32, #tpu.memory_space<vmem>>) attributes {dimension_semantics = [], scalar_prefetch = 0 : i64, scratch_operands = 0 : i64, tpu.core_type = #tpu.core_type<tc>} {
    %get3A = arith.constant 0 : index
    %get3A_0 = arith.constant 0 : index
    %get3A_1 = arith.constant 0 : index
    %get3A_2 = vector.load %arg0[%get3A, %get3A_0, %get3A_1] : memref<2x10000x8xf32, #tpu.memory_space<vmem>>, vector<1x10000x8xf32>
    %get3A_3 = vector.shape_cast %get3A_2 : vector<1x10000x8xf32> to vector<10000x8xf32>
    %slice3A = vector.extract_strided_slice %get3A_3 {offsets = [0, 0], sizes = [10000, 1], strides = [1, 1]} : vector<10000x8xf32> to vector<10000x1xf32>
    %get3A_4 = arith.constant 1 : index
    %get3A_5 = arith.constant 0 : index
    %get3A_6 = arith.constant 0 : index
    %get3A_7 = vector.load %arg0[%get3A_4, %get3A_5, %get3A_6] : memref<2x10000x8xf32, #tpu.memory_space<vmem>>, vector<1x10000x8xf32>
    %get3A_8 = vector.shape_cast %get3A_7 : vector<1x10000x8xf32> to vector<10000x8xf32>
    %slice3A_9 = vector.extract_strided_slice %get3A_8 {offsets = [0, 0], sizes = [10000, 1], strides = [1, 1]} : vector<10000x8xf32> to vector<10000x1xf32>
    %add3A = arith.addf %slice3A, %slice3A_9 : vector<10000x1xf32>
    %add3A_10 = arith.constant 1.000000e+00 : f32
    %add3A_11 = vector.broadcast %add3A_10 : f32 to vector<10000x1xf32>
    %add3A_12 = arith.addf %add3A, %add3A_11 : vector<10000x1xf32>
    %rsqrt3A = math.rsqrt %add3A_12 : vector<10000x1xf32>
    %swap3A = arith.constant 0 : index
    %swap3A_13 = arith.constant 0 : index
    %swap3A_14 = vector.load %arg4[%swap3A, %swap3A_13] : memref<10000x1xf32, #tpu.memory_space<vmem>>, vector<10000x1xf32>
    tpu.vector_store %arg4[%swap3A, %swap3A_13], %rsqrt3A {strides = array<i32>} : memref<10000x1xf32, #tpu.memory_space<vmem>>, vector<10000x1xf32>,
    %get3A_15 = arith.constant 0 : index
    %get3A_16 = arith.constant 0 : index
    %get3A_17 = vector.load %arg1[%get3A_15, %get3A_16] : memref<10000x128xf32, #tpu.memory_space<vmem>>, vector<10000x128xf32>
    %get3A_18 = arith.constant 0 : index
    %get3A_19 = arith.constant 0 : index
    %get3A_20 = vector.load %arg2[%get3A_18, %get3A_19] : memref<128x128xf32, #tpu.memory_space<vmem>>, vector<128x128xf32>
    %dot_general3A = arith.constant dense<0.000000e+00> : vector<10000x128xf32>
    %dot_general3A_21 = tpu.matmul %get3A_17, %get3A_20, %dot_general3A {dimension_numbers = #tpu.dot_dimension_numbers<[1], [0], [0], [1], [0, 0, 1, 1], [], []>, transpose_lhs_hint = false} : vector<10000x128xf32>, vector<128x128xf32>, vector<10000x128xf32> -> vector<10000x128xf32>
    %mul3A = vector.broadcast %rsqrt3A : vector<10000x1xf32> to vector<10000x128xf32>
    %mul3A_22 = arith.mulf %dot_general3A_21, %mul3A : vector<10000x128xf32>
    %swap3A_23 = arith.constant 0 : index
    %swap3A_24 = arith.constant 0 : index
    %swap3A_25 = vector.load %arg3[%swap3A_23, %swap3A_24] : memref<10000x128xf32, #tpu.memory_space<vmem>>, vector<10000x128xf32>
    tpu.vector_store %arg3[%swap3A_23, %swap3A_24], %mul3A_22 {strides = array<i32>} : memref<10000x128xf32, #tpu.memory_space<vmem>>, vector<10000x128xf32>,
    return
  }
}

module attributes {stable_mosaic.version = 14 : i64} {
  func.func @_tc_mid_body(%arg0: memref<2x10000x128xf32, #tpu.memory_space<vmem>>, %arg1: memref<10000x128xf32, #tpu.memory_space<vmem>>, %arg2: memref<10000x1xf32, #tpu.memory_space<vmem>>, %arg3: memref<1x128xf32, #tpu.memory_space<vmem>>, %arg4: memref<1x128xf32, #tpu.memory_space<vmem>>, %arg5: memref<1x128xf32, #tpu.memory_space<vmem>>, %arg6: memref<128x64xf32, #tpu.memory_space<vmem>>, %arg7: memref<10000x128xf32, #tpu.memory_space<vmem>>) attributes {dimension_semantics = [], scalar_prefetch = 0 : i64, scratch_operands = 0 : i64, tpu.core_type = #tpu.core_type<tc>} {
    %get3A = arith.constant 0 : index
    %get3A_0 = arith.constant 0 : index
    %get3A_1 = arith.constant 0 : index
    %get3A_2 = vector.load %arg0[%get3A, %get3A_0, %get3A_1] : memref<2x10000x128xf32, #tpu.memory_space<vmem>>, vector<1x10000x128xf32>
    %get3A_3 = vector.shape_cast %get3A_2 : vector<1x10000x128xf32> to vector<10000x128xf32>
    %get3A_4 = arith.constant 1 : index
    %get3A_5 = arith.constant 0 : index
    %get3A_6 = arith.constant 0 : index
    %get3A_7 = vector.load %arg0[%get3A_4, %get3A_5, %get3A_6] : memref<2x10000x128xf32, #tpu.memory_space<vmem>>, vector<1x10000x128xf32>
    %get3A_8 = vector.shape_cast %get3A_7 : vector<1x10000x128xf32> to vector<10000x128xf32>
    %add3A = arith.addf %get3A_3, %get3A_8 : vector<10000x128xf32>
    %get3A_9 = arith.constant 0 : index
    %get3A_10 = arith.constant 0 : index
    %get3A_11 = vector.load %arg1[%get3A_9, %get3A_10] : memref<10000x128xf32, #tpu.memory_space<vmem>>, vector<10000x128xf32>
    %add3A_12 = arith.addf %add3A, %get3A_11 : vector<10000x128xf32>
    %get3A_13 = arith.constant 0 : index
    %get3A_14 = arith.constant 0 : index
    %get3A_15 = vector.load %arg2[%get3A_13, %get3A_14] : memref<10000x1xf32, #tpu.memory_space<vmem>>, vector<10000x1xf32>
    %mul3A = vector.broadcast %get3A_15 : vector<10000x1xf32> to vector<10000x128xf32>
    %mul3A_16 = arith.mulf %add3A_12, %mul3A : vector<10000x128xf32>
    %get3A_17 = arith.constant 0 : index
    %get3A_18 = arith.constant 0 : index
    %get3A_19 = vector.load %arg3[%get3A_17, %get3A_18] : memref<1x128xf32, #tpu.memory_space<vmem>>, vector<1x128xf32>
    %add3A_20 = vector.broadcast %get3A_19 : vector<1x128xf32> to vector<10000x128xf32>
    %add3A_21 = arith.addf %mul3A_16, %add3A_20 : vector<10000x128xf32>
    %reduce_sum3A = arith.constant dense<0.000000e+00> : vector<128xf32>
    %reduce_sum3A_22 = vector.multi_reduction <add>, %add3A_21, %reduce_sum3A [0] : vector<10000x128xf32> to vector<128xf32>
    %broadcast_in_dim3A = vector.shape_cast %reduce_sum3A_22 : vector<128xf32> to vector<1x128xf32>
    %div3A = arith.constant 1.000000e+04 : f32
    %div3A_23 = vector.broadcast %div3A : f32 to vector<1x128xf32>
    %div3A_24 = arith.divf %broadcast_in_dim3A, %div3A_23 : vector<1x128xf32>
    %sub3A = vector.broadcast %div3A_24 : vector<1x128xf32> to vector<10000x128xf32>
    %sub3A_25 = arith.subf %add3A_21, %sub3A : vector<10000x128xf32>
    %mul3A_26 = arith.mulf %sub3A_25, %sub3A_25 : vector<10000x128xf32>
    %reduce_sum3A_27 = arith.constant dense<0.000000e+00> : vector<128xf32>
    %reduce_sum3A_28 = vector.multi_reduction <add>, %mul3A_26, %reduce_sum3A_27 [0] : vector<10000x128xf32> to vector<128xf32>
    %broadcast_in_dim3A_29 = vector.shape_cast %reduce_sum3A_28 : vector<128xf32> to vector<1x128xf32>
    %div3A_30 = arith.constant 1.000000e+04 : f32
    %div3A_31 = vector.broadcast %div3A_30 : f32 to vector<1x128xf32>
    %div3A_32 = arith.divf %broadcast_in_dim3A_29, %div3A_31 : vector<1x128xf32>
    %add3A_33 = arith.constant 9.99999974E-6 : f32
    %add3A_34 = vector.broadcast %add3A_33 : f32 to vector<1x128xf32>
    %add3A_35 = arith.addf %div3A_32, %add3A_34 : vector<1x128xf32>
    %rsqrt3A = math.rsqrt %add3A_35 : vector<1x128xf32>
    %mul3A_36 = vector.broadcast %rsqrt3A : vector<1x128xf32> to vector<10000x128xf32>
    %mul3A_37 = arith.mulf %sub3A_25, %mul3A_36 : vector<10000x128xf32>
    %get3A_38 = arith.constant 0 : index
    %get3A_39 = arith.constant 0 : index
    %get3A_40 = vector.load %arg4[%get3A_38, %get3A_39] : memref<1x128xf32, #tpu.memory_space<vmem>>, vector<1x128xf32>
    %mul3A_41 = vector.broadcast %get3A_40 : vector<1x128xf32> to vector<10000x128xf32>
    %mul3A_42 = arith.mulf %mul3A_37, %mul3A_41 : vector<10000x128xf32>
    %get3A_43 = arith.constant 0 : index
    %get3A_44 = arith.constant 0 : index
    %get3A_45 = vector.load %arg5[%get3A_43, %get3A_44] : memref<1x128xf32, #tpu.memory_space<vmem>>, vector<1x128xf32>
    %add3A_46 = vector.broadcast %get3A_45 : vector<1x128xf32> to vector<10000x128xf32>
    %add3A_47 = arith.addf %mul3A_42, %add3A_46 : vector<10000x128xf32>
    %max3A = arith.constant 0.000000e+00 : f32
    %max3A_48 = vector.broadcast %max3A : f32 to vector<10000x128xf32>
    %max3A_49 = arith.maximumf %add3A_47, %max3A_48 : vector<10000x128xf32>
    %get3A_50 = arith.constant 0 : index
    %get3A_51 = arith.constant 0 : index
    %get3A_52 = vector.load %arg6[%get3A_50, %get3A_51] : memref<128x64xf32, #tpu.memory_space<vmem>>, vector<128x64xf32>
    %dot_general3A = arith.constant dense<0.000000e+00> : vector<10000x64xf32>
    %dot_general3A_53 = tpu.matmul %max3A_49, %get3A_52, %dot_general3A {dimension_numbers = #tpu.dot_dimension_numbers<[1], [0], [0], [1], [0, 0, 1, 1], [], []>, transpose_lhs_hint = false} : vector<10000x128xf32>, vector<128x64xf32>, vector<10000x64xf32> -> vector<10000x64xf32>
    %get3A_54 = arith.constant 0 : index
    %get3A_55 = arith.constant 0 : index
    %get3A_56 = vector.load %arg2[%get3A_54, %get3A_55] : memref<10000x1xf32, #tpu.memory_space<vmem>>, vector<10000x1xf32>
    %mul3A_57 = vector.broadcast %get3A_56 : vector<10000x1xf32> to vector<10000x64xf32>
    %mul3A_58 = arith.mulf %dot_general3A_53, %mul3A_57 : vector<10000x64xf32>
    %broadcast_in_dim3A_59 = arith.constant 0.000000e+00 : f32
    %broadcast_in_dim3A_60 = vector.broadcast %broadcast_in_dim3A_59 : f32 to vector<10000x64xf32>
    %concatenate3A = tpu.concatenate %mul3A_58, %broadcast_in_dim3A_60 in 1 : vector<10000x64xf32>, vector<10000x64xf32> -> vector<10000x128xf32>
    %swap3A = arith.constant 0 : index
    %swap3A_61 = arith.constant 0 : index
    %swap3A_62 = vector.load %arg7[%swap3A, %swap3A_61] : memref<10000x128xf32, #tpu.memory_space<vmem>>, vector<10000x128xf32>
    tpu.vector_store %arg7[%swap3A, %swap3A_61], %concatenate3A {strides = array<i32>} : memref<10000x128xf32, #tpu.memory_space<vmem>>, vector<10000x128xf32>,
    return
  }
}

module attributes {stable_mosaic.version = 14 : i64} {
  func.func @_tc_mid_body(%arg0: memref<2x10000x128xf32, #tpu.memory_space<vmem>>, %arg1: memref<10000x128xf32, #tpu.memory_space<vmem>>, %arg2: memref<10000x1xf32, #tpu.memory_space<vmem>>, %arg3: memref<1x64xf32, #tpu.memory_space<vmem>>, %arg4: memref<1x64xf32, #tpu.memory_space<vmem>>, %arg5: memref<1x64xf32, #tpu.memory_space<vmem>>, %arg6: memref<64x64xf32, #tpu.memory_space<vmem>>, %arg7: memref<10000x128xf32, #tpu.memory_space<vmem>>) attributes {dimension_semantics = [], scalar_prefetch = 0 : i64, scratch_operands = 0 : i64, tpu.core_type = #tpu.core_type<tc>} {
    %get3A = arith.constant 0 : index
    %get3A_0 = arith.constant 0 : index
    %get3A_1 = arith.constant 0 : index
    %get3A_2 = vector.load %arg0[%get3A, %get3A_0, %get3A_1] : memref<2x10000x128xf32, #tpu.memory_space<vmem>>, vector<1x10000x128xf32>
    %get3A_3 = vector.shape_cast %get3A_2 : vector<1x10000x128xf32> to vector<10000x128xf32>
    %slice3A = vector.extract_strided_slice %get3A_3 {offsets = [0, 0], sizes = [10000, 64], strides = [1, 1]} : vector<10000x128xf32> to vector<10000x64xf32>
    %get3A_4 = arith.constant 1 : index
    %get3A_5 = arith.constant 0 : index
    %get3A_6 = arith.constant 0 : index
    %get3A_7 = vector.load %arg0[%get3A_4, %get3A_5, %get3A_6] : memref<2x10000x128xf32, #tpu.memory_space<vmem>>, vector<1x10000x128xf32>
    %get3A_8 = vector.shape_cast %get3A_7 : vector<1x10000x128xf32> to vector<10000x128xf32>
    %slice3A_9 = vector.extract_strided_slice %get3A_8 {offsets = [0, 0], sizes = [10000, 64], strides = [1, 1]} : vector<10000x128xf32> to vector<10000x64xf32>
    %add3A = arith.addf %slice3A, %slice3A_9 : vector<10000x64xf32>
    %get3A_10 = arith.constant 0 : index
    %get3A_11 = arith.constant 0 : index
    %get3A_12 = vector.load %arg1[%get3A_10, %get3A_11] : memref<10000x128xf32, #tpu.memory_space<vmem>>, vector<10000x64xf32>
    %add3A_13 = arith.addf %add3A, %get3A_12 : vector<10000x64xf32>
    %get3A_14 = arith.constant 0 : index
    %get3A_15 = arith.constant 0 : index
    %get3A_16 = vector.load %arg2[%get3A_14, %get3A_15] : memref<10000x1xf32, #tpu.memory_space<vmem>>, vector<10000x1xf32>
    %mul3A = vector.broadcast %get3A_16 : vector<10000x1xf32> to vector<10000x64xf32>
    %mul3A_17 = arith.mulf %add3A_13, %mul3A : vector<10000x64xf32>
    %get3A_18 = arith.constant 0 : index
    %get3A_19 = arith.constant 0 : index
    %get3A_20 = vector.load %arg3[%get3A_18, %get3A_19] : memref<1x64xf32, #tpu.memory_space<vmem>>, vector<1x64xf32>
    %add3A_21 = vector.broadcast %get3A_20 : vector<1x64xf32> to vector<10000x64xf32>
    %add3A_22 = arith.addf %mul3A_17, %add3A_21 : vector<10000x64xf32>
    %reduce_sum3A = arith.constant dense<0.000000e+00> : vector<64xf32>
    %reduce_sum3A_23 = vector.multi_reduction <add>, %add3A_22, %reduce_sum3A [0] : vector<10000x64xf32> to vector<64xf32>
    %broadcast_in_dim3A = vector.shape_cast %reduce_sum3A_23 : vector<64xf32> to vector<1x64xf32>
    %div3A = arith.constant 1.000000e+04 : f32
    %div3A_24 = vector.broadcast %div3A : f32 to vector<1x64xf32>
    %div3A_25 = arith.divf %broadcast_in_dim3A, %div3A_24 : vector<1x64xf32>
    %sub3A = vector.broadcast %div3A_25 : vector<1x64xf32> to vector<10000x64xf32>
    %sub3A_26 = arith.subf %add3A_22, %sub3A : vector<10000x64xf32>
    %mul3A_27 = arith.mulf %sub3A_26, %sub3A_26 : vector<10000x64xf32>
    %reduce_sum3A_28 = arith.constant dense<0.000000e+00> : vector<64xf32>
    %reduce_sum3A_29 = vector.multi_reduction <add>, %mul3A_27, %reduce_sum3A_28 [0] : vector<10000x64xf32> to vector<64xf32>
    %broadcast_in_dim3A_30 = vector.shape_cast %reduce_sum3A_29 : vector<64xf32> to vector<1x64xf32>
    %div3A_31 = arith.constant 1.000000e+04 : f32
    %div3A_32 = vector.broadcast %div3A_31 : f32 to vector<1x64xf32>
    %div3A_33 = arith.divf %broadcast_in_dim3A_30, %div3A_32 : vector<1x64xf32>
    %add3A_34 = arith.constant 9.99999974E-6 : f32
    %add3A_35 = vector.broadcast %add3A_34 : f32 to vector<1x64xf32>
    %add3A_36 = arith.addf %div3A_33, %add3A_35 : vector<1x64xf32>
    %rsqrt3A = math.rsqrt %add3A_36 : vector<1x64xf32>
    %mul3A_37 = vector.broadcast %rsqrt3A : vector<1x64xf32> to vector<10000x64xf32>
    %mul3A_38 = arith.mulf %sub3A_26, %mul3A_37 : vector<10000x64xf32>
    %get3A_39 = arith.constant 0 : index
    %get3A_40 = arith.constant 0 : index
    %get3A_41 = vector.load %arg4[%get3A_39, %get3A_40] : memref<1x64xf32, #tpu.memory_space<vmem>>, vector<1x64xf32>
    %mul3A_42 = vector.broadcast %get3A_41 : vector<1x64xf32> to vector<10000x64xf32>
    %mul3A_43 = arith.mulf %mul3A_38, %mul3A_42 : vector<10000x64xf32>
    %get3A_44 = arith.constant 0 : index
    %get3A_45 = arith.constant 0 : index
    %get3A_46 = vector.load %arg5[%get3A_44, %get3A_45] : memref<1x64xf32, #tpu.memory_space<vmem>>, vector<1x64xf32>
    %add3A_47 = vector.broadcast %get3A_46 : vector<1x64xf32> to vector<10000x64xf32>
    %add3A_48 = arith.addf %mul3A_43, %add3A_47 : vector<10000x64xf32>
    %max3A = arith.constant 0.000000e+00 : f32
    %max3A_49 = vector.broadcast %max3A : f32 to vector<10000x64xf32>
    %max3A_50 = arith.maximumf %add3A_48, %max3A_49 : vector<10000x64xf32>
    %get3A_51 = arith.constant 0 : index
    %get3A_52 = arith.constant 0 : index
    %get3A_53 = vector.load %arg6[%get3A_51, %get3A_52] : memref<64x64xf32, #tpu.memory_space<vmem>>, vector<64x64xf32>
    %dot_general3A = arith.constant dense<0.000000e+00> : vector<10000x64xf32>
    %dot_general3A_54 = tpu.matmul %max3A_50, %get3A_53, %dot_general3A {dimension_numbers = #tpu.dot_dimension_numbers<[1], [0], [0], [1], [0, 0, 1, 1], [], []>, transpose_lhs_hint = false} : vector<10000x64xf32>, vector<64x64xf32>, vector<10000x64xf32> -> vector<10000x64xf32>
    %get3A_55 = arith.constant 0 : index
    %get3A_56 = arith.constant 0 : index
    %get3A_57 = vector.load %arg2[%get3A_55, %get3A_56] : memref<10000x1xf32, #tpu.memory_space<vmem>>, vector<10000x1xf32>
    %mul3A_58 = vector.broadcast %get3A_57 : vector<10000x1xf32> to vector<10000x64xf32>
    %mul3A_59 = arith.mulf %dot_general3A_54, %mul3A_58 : vector<10000x64xf32>
    %broadcast_in_dim3A_60 = arith.constant 0.000000e+00 : f32
    %broadcast_in_dim3A_61 = vector.broadcast %broadcast_in_dim3A_60 : f32 to vector<10000x64xf32>
    %concatenate3A = tpu.concatenate %mul3A_59, %broadcast_in_dim3A_61 in 1 : vector<10000x64xf32>, vector<10000x64xf32> -> vector<10000x128xf32>
    %swap3A = arith.constant 0 : index
    %swap3A_62 = arith.constant 0 : index
    %swap3A_63 = vector.load %arg7[%swap3A, %swap3A_62] : memref<10000x128xf32, #tpu.memory_space<vmem>>, vector<10000x128xf32>
    tpu.vector_store %arg7[%swap3A, %swap3A_62], %concatenate3A {strides = array<i32>} : memref<10000x128xf32, #tpu.memory_space<vmem>>, vector<10000x128xf32>,
    return
  }
}

module attributes {stable_mosaic.version = 14 : i64} {
  func.func @_tc_post_body(%arg0: memref<2x10000x128xf32, #tpu.memory_space<vmem>>, %arg1: memref<10000x128xf32, #tpu.memory_space<vmem>>, %arg2: memref<10000x1xf32, #tpu.memory_space<vmem>>, %arg3: memref<1x64xf32, #tpu.memory_space<vmem>>, %arg4: memref<1x64xf32, #tpu.memory_space<vmem>>, %arg5: memref<1x64xf32, #tpu.memory_space<vmem>>, %arg6: memref<1x10000xi32, #tpu.memory_space<vmem>>, %arg7: memref<64x64xf32, #tpu.memory_space<vmem>>, %arg8: memref<1x64xf32, #tpu.memory_space<vmem>>, %arg9: memref<64x10xf32, #tpu.memory_space<vmem>>, %arg10: memref<1x10xf32, #tpu.memory_space<vmem>>, %arg11: memref<64x10xf32, #tpu.memory_space<vmem>>) attributes {dimension_semantics = [], scalar_prefetch = 0 : i64, scratch_operands = 0 : i64, tpu.core_type = #tpu.core_type<tc>} {
    %get3A = arith.constant 0 : index
    %get3A_0 = arith.constant 0 : index
    %get3A_1 = arith.constant 0 : index
    %get3A_2 = vector.load %arg0[%get3A, %get3A_0, %get3A_1] : memref<2x10000x128xf32, #tpu.memory_space<vmem>>, vector<1x10000x128xf32>
    %get3A_3 = vector.shape_cast %get3A_2 : vector<1x10000x128xf32> to vector<10000x128xf32>
    %slice3A = vector.extract_strided_slice %get3A_3 {offsets = [0, 0], sizes = [10000, 64], strides = [1, 1]} : vector<10000x128xf32> to vector<10000x64xf32>
    %get3A_4 = arith.constant 1 : index
    %get3A_5 = arith.constant 0 : index
    %get3A_6 = arith.constant 0 : index
    %get3A_7 = vector.load %arg0[%get3A_4, %get3A_5, %get3A_6] : memref<2x10000x128xf32, #tpu.memory_space<vmem>>, vector<1x10000x128xf32>
    %get3A_8 = vector.shape_cast %get3A_7 : vector<1x10000x128xf32> to vector<10000x128xf32>
    %slice3A_9 = vector.extract_strided_slice %get3A_8 {offsets = [0, 0], sizes = [10000, 64], strides = [1, 1]} : vector<10000x128xf32> to vector<10000x64xf32>
    %add3A = arith.addf %slice3A, %slice3A_9 : vector<10000x64xf32>
    %get3A_10 = arith.constant 0 : index
    %get3A_11 = arith.constant 0 : index
    %get3A_12 = vector.load %arg1[%get3A_10, %get3A_11] : memref<10000x128xf32, #tpu.memory_space<vmem>>, vector<10000x64xf32>
    %add3A_13 = arith.addf %add3A, %get3A_12 : vector<10000x64xf32>
    %get3A_14 = arith.constant 0 : index
    %get3A_15 = arith.constant 0 : index
    %get3A_16 = vector.load %arg2[%get3A_14, %get3A_15] : memref<10000x1xf32, #tpu.memory_space<vmem>>, vector<10000x1xf32>
    %mul3A = vector.broadcast %get3A_16 : vector<10000x1xf32> to vector<10000x64xf32>
    %mul3A_17 = arith.mulf %add3A_13, %mul3A : vector<10000x64xf32>
    %get3A_18 = arith.constant 0 : index
    %get3A_19 = arith.constant 0 : index
    %get3A_20 = vector.load %arg3[%get3A_18, %get3A_19] : memref<1x64xf32, #tpu.memory_space<vmem>>, vector<1x64xf32>
    %add3A_21 = vector.broadcast %get3A_20 : vector<1x64xf32> to vector<10000x64xf32>
    %add3A_22 = arith.addf %mul3A_17, %add3A_21 : vector<10000x64xf32>
    %reduce_sum3A = arith.constant dense<0.000000e+00> : vector<64xf32>
    %reduce_sum3A_23 = vector.multi_reduction <add>, %add3A_22, %reduce_sum3A [0] : vector<10000x64xf32> to vector<64xf32>
    %broadcast_in_dim3A = vector.shape_cast %reduce_sum3A_23 : vector<64xf32> to vector<1x64xf32>
    %div3A = arith.constant 1.000000e+04 : f32
    %div3A_24 = vector.broadcast %div3A : f32 to vector<1x64xf32>
    %div3A_25 = arith.divf %broadcast_in_dim3A, %div3A_24 : vector<1x64xf32>
    %sub3A = vector.broadcast %div3A_25 : vector<1x64xf32> to vector<10000x64xf32>
    %sub3A_26 = arith.subf %add3A_22, %sub3A : vector<10000x64xf32>
    %mul3A_27 = arith.mulf %sub3A_26, %sub3A_26 : vector<10000x64xf32>
    %reduce_sum3A_28 = arith.constant dense<0.000000e+00> : vector<64xf32>
    %reduce_sum3A_29 = vector.multi_reduction <add>, %mul3A_27, %reduce_sum3A_28 [0] : vector<10000x64xf32> to vector<64xf32>
    %broadcast_in_dim3A_30 = vector.shape_cast %reduce_sum3A_29 : vector<64xf32> to vector<1x64xf32>
    %div3A_31 = arith.constant 1.000000e+04 : f32
    %div3A_32 = vector.broadcast %div3A_31 : f32 to vector<1x64xf32>
    %div3A_33 = arith.divf %broadcast_in_dim3A_30, %div3A_32 : vector<1x64xf32>
    %add3A_34 = arith.constant 9.99999974E-6 : f32
    %add3A_35 = vector.broadcast %add3A_34 : f32 to vector<1x64xf32>
    %add3A_36 = arith.addf %div3A_33, %add3A_35 : vector<1x64xf32>
    %rsqrt3A = math.rsqrt %add3A_36 : vector<1x64xf32>
    %mul3A_37 = vector.broadcast %rsqrt3A : vector<1x64xf32> to vector<10000x64xf32>
    %mul3A_38 = arith.mulf %sub3A_26, %mul3A_37 : vector<10000x64xf32>
    %get3A_39 = arith.constant 0 : index
    %get3A_40 = arith.constant 0 : index
    %get3A_41 = vector.load %arg4[%get3A_39, %get3A_40] : memref<1x64xf32, #tpu.memory_space<vmem>>, vector<1x64xf32>
    %mul3A_42 = vector.broadcast %get3A_41 : vector<1x64xf32> to vector<10000x64xf32>
    %mul3A_43 = arith.mulf %mul3A_38, %mul3A_42 : vector<10000x64xf32>
    %get3A_44 = arith.constant 0 : index
    %get3A_45 = arith.constant 0 : index
    %get3A_46 = vector.load %arg5[%get3A_44, %get3A_45] : memref<1x64xf32, #tpu.memory_space<vmem>>, vector<1x64xf32>
    %add3A_47 = vector.broadcast %get3A_46 : vector<1x64xf32> to vector<10000x64xf32>
    %add3A_48 = arith.addf %mul3A_43, %add3A_47 : vector<10000x64xf32>
    %max3A = arith.constant 0.000000e+00 : f32
    %max3A_49 = vector.broadcast %max3A : f32 to vector<10000x64xf32>
    %max3A_50 = arith.maximumf %add3A_48, %max3A_49 : vector<10000x64xf32>
    %iota3A = tpu.iota {dimensions = array<i32: 0>} : vector<64x10000xi32>
    %get3A_51 = arith.constant 0 : index
    %get3A_52 = arith.constant 0 : index
    %get3A_53 = vector.load %arg6[%get3A_51, %get3A_52] : memref<1x10000xi32, #tpu.memory_space<vmem>>, vector<1x10000xi32>
    %eq3A = vector.broadcast %get3A_53 : vector<1x10000xi32> to vector<64x10000xi32>
    %eq3A_54 = arith.cmpi eq, %iota3A, %eq3A : vector<64x10000xi32>
    %convert_element_type3A = arith.extui %eq3A_54 : vector<64x10000xi1> to vector<64x10000xi32>
    %convert_element_type3A_55 = arith.sitofp %convert_element_type3A : vector<64x10000xi32> to vector<64x10000xf32>
    %dot_general3A = arith.constant dense<0.000000e+00> : vector<64x64xf32>
    %dot_general3A_56 = tpu.matmul %convert_element_type3A_55, %max3A_50, %dot_general3A {dimension_numbers = #tpu.dot_dimension_numbers<[1], [0], [0], [1], [0, 0, 1, 1], [], []>, transpose_lhs_hint = false} : vector<64x10000xf32>, vector<10000x64xf32>, vector<64x64xf32> -> vector<64x64xf32>
    %broadcast_in_dim3A_57 = arith.constant 1.000000e+00 : f32
    %broadcast_in_dim3A_58 = vector.broadcast %broadcast_in_dim3A_57 : f32 to vector<10000x1xf32>
    %dot_general3A_59 = arith.constant dense<0.000000e+00> : vector<64x1xf32>
    %dot_general3A_60 = tpu.matmul %convert_element_type3A_55, %broadcast_in_dim3A_58, %dot_general3A_59 {dimension_numbers = #tpu.dot_dimension_numbers<[1], [0], [0], [1], [0, 0, 1, 1], [], []>, transpose_lhs_hint = false} : vector<64x10000xf32>, vector<10000x1xf32>, vector<64x1xf32> -> vector<64x1xf32>
    %max3A_61 = arith.constant 1.000000e+00 : f32
    %max3A_62 = vector.broadcast %max3A_61 : f32 to vector<64x1xf32>
    %max3A_63 = arith.maximumf %dot_general3A_60, %max3A_62 : vector<64x1xf32>
    %div3A_64 = vector.broadcast %max3A_63 : vector<64x1xf32> to vector<64x64xf32>
    %div3A_65 = arith.divf %dot_general3A_56, %div3A_64 : vector<64x64xf32>
    %get3A_66 = arith.constant 0 : index
    %get3A_67 = arith.constant 0 : index
    %get3A_68 = vector.load %arg7[%get3A_66, %get3A_67] : memref<64x64xf32, #tpu.memory_space<vmem>>, vector<64x64xf32>
    %dot_general3A_69 = arith.constant dense<0.000000e+00> : vector<64x64xf32>
    %dot_general3A_70 = tpu.matmul %div3A_65, %get3A_68, %dot_general3A_69 {dimension_numbers = #tpu.dot_dimension_numbers<[1], [0], [0], [1], [0, 0, 1, 1], [], []>, transpose_lhs_hint = false} : vector<64x64xf32>, vector<64x64xf32>, vector<64x64xf32> -> vector<64x64xf32>
    %get3A_71 = arith.constant 0 : index
    %get3A_72 = arith.constant 0 : index
    %get3A_73 = vector.load %arg8[%get3A_71, %get3A_72] : memref<1x64xf32, #tpu.memory_space<vmem>>, vector<1x64xf32>
    %add3A_74 = vector.broadcast %get3A_73 : vector<1x64xf32> to vector<64x64xf32>
    %add3A_75 = arith.addf %dot_general3A_70, %add3A_74 : vector<64x64xf32>
    %max3A_76 = arith.constant 0.000000e+00 : f32
    %max3A_77 = vector.broadcast %max3A_76 : f32 to vector<64x64xf32>
    %max3A_78 = arith.maximumf %add3A_75, %max3A_77 : vector<64x64xf32>
    %get3A_79 = arith.constant 0 : index
    %get3A_80 = arith.constant 0 : index
    %get3A_81 = vector.load %arg9[%get3A_79, %get3A_80] : memref<64x10xf32, #tpu.memory_space<vmem>>, vector<64x10xf32>
    %dot_general3A_82 = arith.constant dense<0.000000e+00> : vector<64x10xf32>
    %dot_general3A_83 = tpu.matmul %max3A_78, %get3A_81, %dot_general3A_82 {dimension_numbers = #tpu.dot_dimension_numbers<[1], [0], [0], [1], [0, 0, 1, 1], [], []>, transpose_lhs_hint = false} : vector<64x64xf32>, vector<64x10xf32>, vector<64x10xf32> -> vector<64x10xf32>
    %get3A_84 = arith.constant 0 : index
    %get3A_85 = arith.constant 0 : index
    %get3A_86 = vector.load %arg10[%get3A_84, %get3A_85] : memref<1x10xf32, #tpu.memory_space<vmem>>, vector<1x10xf32>
    %add3A_87 = vector.broadcast %get3A_86 : vector<1x10xf32> to vector<64x10xf32>
    %add3A_88 = arith.addf %dot_general3A_83, %add3A_87 : vector<64x10xf32>
    %swap3A = arith.constant 0 : index
    %swap3A_89 = arith.constant 0 : index
    %swap3A_90 = vector.load %arg11[%swap3A, %swap3A_89] : memref<64x10xf32, #tpu.memory_space<vmem>>, vector<64x10xf32>
    tpu.vector_store %arg11[%swap3A, %swap3A_89], %add3A_88 {strides = array<i32>} : memref<64x10xf32, #tpu.memory_space<vmem>>, vector<64x10xf32>,
    return
  }
}

</mosaic_0001>

<sc_bundles>
// kernel: kernel.10.cloned.1.call-start
scs
__scs_entry_jumppad:
0x0: {  	(pc) =	sbr.rel $0x88, $3  }
0x1: {  	(tag) =	ssettag $0x0;
	lr =	simm.s32 $0x1  }
0x2: {  	[smem:$0x3F8E] =	sst lr;
	_ =	strace $0xD0000000  }
0x3: {  	_ = 	snop  }
0x4: {  	_ = 	snop  }
0x5: {  	_ = 	snop  }
0x6: {  	_ = 	snop  }
0x7: {  	_ = 	snop  }
__scs_overlays_trampoline_lowered:
0x8: {  	[smem:$0x3F9D] =	sst s0  }
0x9: {  	[smem:$0x3F9E] =	sst s1  }
0xa: {  	[smem:$0x3F9F] =	sst s2  }
0xb: {  	[smem:$0x3FA0] =	sst s3  }
0xc: {  	[smem:$0x3FA1] =	sst s4  }
0xd: {  	[smem:$0x3FA2] =	sst s5  }
0xe: {  	[smem:$0x3FA3] =	sst s6  }
0xf: {  	[smem:$0x3FA4] =	sst s7  }
0x10: {  	[smem:$0x3FA5] =	sst s8  }
0x11: {  	[smem:$0x3FA6] =	sst s9;
	s0 =	simm.s32 @!p0 $0x0  }
0x12: {  	s1 =	sld [smem:$0x3F8C];
	s0 =	simm.s32 @p0 $0x1  }
0x13: {  	[smem:$0x3FA7] =	sst s0;
	s0 =	simm.s32 @!p1 $0x0  }
0x14: {  	s2 =	sld [smem:$0x3F8B];
	s0 =	simm.s32 @p1 $0x1  }
0x15: {  	[smem:$0x3FA8] =	sst s0;
	s0 =	simm.s32 @!p2 $0x0  }
0x16: {  	s3 =	sld [smem:$0x3FDB];
	s0 =	simm.s32 @p2 $0x1  }
0x17: {  	s4 =	simm.s32 $0x1BF5;
	[smem:$0x3FAA] =	sst s0  }
0x18: {  	s0 =	sld [smem:$0x3F8D];
	_ =	swait.ge [sflag:s4], $0x0  }
0x19: {  	s7 =	sld [smem:$0x3F8E]  }
0x1a: {  	s8 =	sadd.s32 $0xFFFFE003, lr  }
0x1b: {  	s9 =	sadd.s32 $0xFFFFFEF7, lr;
	s5 =	simm.s32 $0xFFFFFFFF;
	p2 =	slt.u32 s8, $0xFFFFF086  }
0x1c: {  	p1 =	slt.u32 s9, $0xF7A;
	s5 =	simm.s32 @!p2 $0x0  }
0x1d: {  	s5 =	simm.s32 @p1 $0x1;
	p0 =	seq.s32 s7, s2  }
0x1e: {  	s7 =	smul.u32 @!p0 $0xF7A, s2;
	p2 =	seq.s32 @!p0 s5, $0x0  }
0x1f: {  	s9 =	smul.u32 $0xF7A, s1;
	s8 =	simm.s32 @!p0 $0x1BF5;
	p2 =	por !p2, p0  }
0x20: {  	[sflag:s8] =	ssyncset.s32 @!p0 $0xFFFFF086;
	s6 =	sadd.s32 @!p0 s3, s7;
	s7 =	simm.s32 @!p0 $0x108  }
0x21: {  	s3 =	sadd.s32 s3, s9;
	s6 =	sadd.s32 @!p0 $0x88, s6;
	s7 =	simm.s32 @p2 $0x1082  }
0x22: {  	[simem:s7], [sflag:s8] =	dma.local @!p0 [hbm:s6], $0xF7A  }
0x23: {  	s9 =	sor.u32 $0xD0000000, s2;
	s6 =	simm.s32 $0x108;
	_ =	swait.ge @!p0 [sflag:s8], $0x0  }
0x24: {  	s3 =	sadd.s32 $0x88, s3;
	s6 =	simm.s32 @!p1 $0x1082;
	[sflag:s4] =	ssyncset.s32 $0xFFFFF086  }
0x25: {  	[simem:s6], [sflag:s4] =	dma.local [hbm:s3], $0xF7A  }
0x26: {  	[smem:$0x3F8E] =	sst s1;
	(tag) =	ssettag s2;
	_ =	strace s9  }
0x27: {  	s1 =	sld [smem:$0x3F9E]  }
0x28: {  	s2 =	sld [smem:$0x3F9F]  }
0x29: {  	s4 =	sld [smem:$0x3FA1]  }
0x2a: {  	p0 =	seq.s32 s5, $0x0;
	s5 =	sld [smem:$0x3FA2]  }
0x2b: {  	s6 =	sld [smem:$0x3FA3]  }
0x2c: {  	s7 =	sld [smem:$0x3FA4]  }
0x2d: {  	s3 =	simm.s32 $0x108;
	s8 =	sld [smem:$0x3FA5]  }
0x2e: {  	s3 =	simm.s32 @!p0 $0x1082;
	s9 =	sld [smem:$0x3FA6]  }
0x2f: {  	lr =	sadd.s32 s0, s3;
	s0 =	sld [smem:$0x3F9D]  }
0x30: {  	s3 =	sld [smem:$0x3FA0]  }
0x31: {  	[smem:$0x3FA9] =	sst s10  }
0x32: {  	s10 =	sld [smem:$0x3FA7];
	_ =	sdelay $0x3  }
0x33: {  	p0 =	seq.s32 s10, $0x1;
	s10 =	sld [smem:$0x3FA9];
	_ =	sdelay $0x3  }
0x34: {  	[smem:$0x3FA9] =	sst s10  }
0x35: {  	s10 =	sld [smem:$0x3FA8];
	_ =	sdelay $0x3  }
0x36: {  	p1 =	seq.s32 s10, $0x1;
	s10 =	sld [smem:$0x3FA9];
	_ =	sdelay $0x3  }
0x37: {  	[smem:$0x3FA9] =	sst s10  }
0x38: {  	s10 =	sld [smem:$0x3FAA]  }
0x39: {  	_ = 	snop;
	(pc) =	sbr.ind lr, $3  }
0x3a: {  	_ = 	snop  }
0x3b: {  	_ = 	snop  }
0x3c: {  	p2 =	seq.s32 s10, $0x1;
	s10 =	sld [smem:$0x3FA9]  }
0x3d: {  	_ =	shalt  }
0x3e: {  	_ =	shalt  }
0x3f: {  	_ =	shalt  }
0x40: {  	_ =	shalt  }
0x41: {  	_ =	shalt  }
0x42: {  	_ =	shalt  }
0x43: {  	_ =	shalt  }
0x44: {  	_ =	shalt  }
0x45: {  	_ =	shalt  }
0x46: {  	_ =	shalt  }
0x47: {  	_ =	shalt  }
0x48: {  	_ =	shalt  }
0x49: {  	_ =	shalt  }
0x4a: {  	_ =	shalt  }
0x4b: {  	_ =	shalt  }
0x4c: {  	_ =	shalt  }
0x4d: {  	_ =	shalt  }
0x4e: {  	_ =	shalt  }
0x4f: {  	_ =	shalt  }
0x50: {  	_ =	shalt  }
0x51: {  	_ =	shalt  }
0x52: {  	_ =	shalt  }
0x53: {  	_ =	shalt  }
0x54: {  	_ =	shalt  }
0x55: {  	_ =	shalt  }
0x56: {  	_ =	shalt  }
0x57: {  	_ =	shalt  }
0x58: {  	_ =	shalt  }
0x59: {  	_ =	shalt  }
0x5a: {  	_ =	shalt  }
0x5b: {  	_ =	shalt  }
0x5c: {  	_ =	shalt  }
0x5d: {  	_ =	shalt  }
0x5e: {  	_ =	shalt  }
0x5f: {  	_ =	shalt  }
0x60: {  	_ =	shalt  }
0x61: {  	_ =	shalt  }
0x62: {  	_ =	shalt  }
0x63: {  	_ =	shalt  }
0x64: {  	_ =	shalt  }
0x65: {  	_ =	shalt  }
0x66: {  	_ =	shalt  }
0x67: {  	_ =	shalt  }
0x68: {  	_ =	shalt  }
0x69: {  	_ =	shalt  }
0x6a: {  	_ =	shalt  }
0x6b: {  	_ =	shalt  }
0x6c: {  	_ =	shalt  }
0x6d: {  	_ =	shalt  }
0x6e: {  	_ =	shalt  }
0x6f: {  	_ =	shalt  }
0x70: {  	_ =	shalt  }
0x71: {  	_ =	shalt  }
0x72: {  	_ =	shalt  }
0x73: {  	_ =	shalt  }
0x74: {  	_ =	shalt  }
0x75: {  	_ =	shalt  }
0x76: {  	_ =	shalt  }
0x77: {  	_ =	shalt  }
0x78: {  	_ =	shalt  }
0x79: {  	_ =	shalt  }
0x7a: {  	_ =	shalt  }
0x7b: {  	_ =	shalt  }
0x7c: {  	_ =	shalt  }
0x7d: {  	_ =	shalt  }
0x7e: {  	_ =	shalt  }
0x7f: {  	_ =	shalt  }
0x80: {  	_ =	shalt  }
0x81: {  	_ =	shalt  }
0x82: {  	_ =	shalt  }
0x83: {  	_ =	shalt  }
0x84: {  	_ =	shalt  }
0x85: {  	_ =	shalt  }
0x86: {  	_ =	shalt  }
0x87: {  	_ =	shalt  }
.Lfunc_end0:
.L_simem_size_0:
called_computation_lowered:
.L_overlay_start_0:
0x88: {  	s2 =	sld [smem:$0x3FD9]  }
0x89: {  	s3 =	sld [smem:$0x3FFE];
	_ =	sdelay $0x1  }
0x8a: {  	s1 =	srdreg.scid  }
0x8b: {  	s0 =	sand.u32 $0x1, s1  }
0x8c: {  	s16 =	sshll.u32 s0, $0xA;
	s2 =	sadd.s32 s3, s2  }
0x8d: {  	s2 =	sadd.s32 s2, s16  }
0x8e: {  	[smem:$0x3FB5] =	sst s2  }
0x8f: {  	_ = 	snop  }
0x90: {  	(tm) =	ssettm $0x1  }
0x91: {  	s17 =	sld [smem:$0x3FFB];
	_ =	sdelay $0x3  }
0x92: {  	_ =	strace s17  }
0x93: {  	s2 =	sld [smem:$0x3FFC];
	_ =	sdelay $0x3  }
0x94: {  	_ =	strace s2  }
0x95: {  	s2 =	sld [smem:$0x3FFD];
	_ =	sdelay $0x3  }
0x96: {  	_ =	strace s2  }
0x97: {  	_ =	strace $0x8FFFFFFF  }
0x98: {  	s18 =	sld [smem:$0x3FDB];
	_ =	sdelay $0x1  }
0x99: {  	s19 =	simm.s32 $_scs_section_size  }
0x9a: {  	s4 =	simm.s32 $_size__tile_overlayer_lowered;
	s5 =	simm.s32 $_tile_overlayer_lowered  }
0x9b: {  	s22 =	simm.s32 $0x1BFF;
	s21 =	sshll.u32 s5, $0x1;
	s2 =	sadd.s32 s19, s18  }
0x9c: {  	s6 =	simm.s32 $0x0;
	s20 =	sshll.u32 s4, $0x1;
	s4 =	sadd.s32 s21, s2  }
0x9d: {  	[timem:s6], [sflag:s22] =	dma.local [hbm:s4], s20  }
0x9e: {  	_ =	swait.ge [sflag:s22], s20  }
0x9f: {  	s3 =	ssub.s32 $0x0, s20;
	[sflag:s22] =	ssyncset.done $0x0  }
0xa0: {  	[sflag:s22] =	ssyncadd.s32 s3;
	_ =	sdelay $0x1  }
0xa1: {  	s23 =	simm.s32 $0x1B8B  }
0xa2: {  	_ =	swait.ge [sflag:s23], $0x1  }
0xa3: {  	[sflag:s23] =	ssyncset.done $0x0  }
0xa4: {  	s25 =	simm.s32 $0x1B8E;
	s24 =	sld [smem:$0x3FFE];
	[sflag:s23] =	ssyncadd.s32 $0xFFFFFFFF  }
0xa5: {  	s26 =	simm.s32 $execute0_lowered;
	[smem:$0x3FD2] =	sst s25  }
0xa6: {  	s4 =	sshll.u32 s26, $0x1;
	_ =	strace $0x80000046;
	[dreg:$0x1] =	wrdreg $0xFFFFFFFF  }
0xa7: {  	s28 =	simm.s32 $_size_execute0_lowered;
	s2 =	sadd.s32 s2, s4;
	[dreg:$0x0] =	wrdreg $0x0  }
0xa8: {  	s4 =	sshll.u32 s28, $0x1;
	[dreg:$0x2] =	wrdreg s2  }
0xa9: {  	[dreg:$0x3] =	wrdreg s4  }
0xaa: {  	[dreg:$0x4] =	wrdreg $0xC0  }
0xab: {  	_ =	task [dreg:s6], $0x5FFFF  }
0xac: {  	[dreg:$0x1] =	wrdreg $0xFFFFFFFF  }
0xad: {  	[dreg:$0x0] =	wrdreg $0x60  }
0xae: {  	[dreg:$0x2] =	wrdreg s24  }
0xaf: {  	[dreg:$0x3] =	wrdreg $0x68000  }
0xb0: {  	[dreg:$0x4] =	wrdreg $0x9  }
0xb1: {  	_ =	task.clear_ibuf [dreg:s6], $0x5FFFF;
	_ =	strace $0x90000046  }
0xb2: {  	s29 =	simm.s32 $0x9;
	_ =	strace $0x80000048  }
0xb3: {  	_ =	swait.ge [sflag:s29], $0x1  }
0xb4: {  	[sflag:s29] =	ssyncadd.s32 $0xFFFFFFFF  }
0xb5: {  	_ =	strace $0x90000048  }
0xb6: {  	_ =	sfence  }
0xb7: {  	s30 =	sld [smem:$0x0];
	_ =	sdelay $0x2  }
0xb8: {  	s31 =	sshll.u32 s1, $0xD;
	s1 =	sshrl.u32 s1, $0x2  }
0xb9: {  	s3 =	sand.u32 $0x4000, s31;
	s1 =	sadd.s32 s1, s30  }
0xba: {  	s0 =	sor.u32 s3, s0;
	s1 =	sshll.u32 s1, $0x11  }
0xbb: {  	s0 =	sor.u32 s1, s0  }
0xbc: {  	s0 =	sadd.s32 $0x8F2B, s0  }
0xbd: {  	[sflag:s0] =	ssyncadd.remote.s32 $0x1  }
0xbe: {  	_ =	sfence.sel $0xFFFF  }
0xbf: {  	[dreg:$0x0] =	wrdreg $0xFFFFFFFF;
	(pc) =	sbr.abs _section_cstart, $3  }
0xc0: {  	[dreg:$0x1] =	wrdreg $0xFFFFFFFF  }
0xc1: {  	_ =	task.clear_ibuf [dreg:s6], $0x2FFFF;
	_ =	strace $0x9FFFFFFF  }
0xc2: {  	(tm) =	ssettm $0x7FFFFFFF  }
0xc3: {  	_ =	shalt  }
tec
execute0_lowered:
.L_overlay_start_1:
0x0: {  	(tag) =	ssettag $0x1  }
0x1: {  	s6 =	rddreg [dreg:$0x0]  }
0x2: {  	s1 =	rddreg [dreg:$0x1];
	s2 =	srdreg.scid  }
0x3: {  	s0 =	rddreg [dreg:$0x2];
	s3 =	simm.s32 $0x0;
	s7 =	sand.u32 $0x1, s2  }
0x4: {  	s13 =	simm.s32 $0x50;
	s2 =	stileid.u32;
	s5 =	smul.u32 $0x13C000, s7  }
0x5: {  	s14 =	simm.s32 $0x0;
	[smem:$0x7FF] =	sst s3;
	s8 =	smul.u32 $0x13C00, s2  }
0x6: {  	_ =	strace $0x80000047;
	s4 =	sshll.u32 s7, $0xB;
	s10 =	smul.u32 $0x4F000, s2  }
0x7: {  	s26 =	ssub.s32 $0x2, s7;
	s28 =	sshll.u32 s2, $0xC;
	s31 =	sshll.u32 s2, $0x6  }
0x8: {  	s9 =	sadd.s32 s4, s6;
	s4 =	sadd.s32 $0x16800, s6;
	s11 =	sshrl.u32 s26, $0x1  }
0x9: {  	s8 =	sadd.s32 s8, s5;
	s5 =	sadd.s32 $0x14000, s6;
	s7 =	sadd.s32 s28, s9  }
0xa: {  	s29 =	sshrl.u32 s10, $0x2;
	s30 =	ssub.s32 s26, s11;
	s9 =	simm.s32 $0x1  }
0xb: {  	s10 =	simm.s32 $0x4000;
	s11 =	sor.u32 $0x1C01, s31;
	s8 =	sshrl.u32 s8, $0x3  }
0xc: {  	s12 =	sadd.s32 s29, s1;
	s8 =	sadd.s32 s8, s6;
	s6 =	sadd.s32 $0x4000, s7  }
0xd: {  	s12 =	sshrl.u32 s12, $0x3;
	s7 =	sadd.s32 $0x16E00, s8;
	s8 =	smax.u32 s30, $0x1  }
.LBB2_1:
0xe: {  	[tilespmem:s3], [sflag:$0x1] =	stream.linear.gather [hbm4b:s6+s3], $0x3E80, $0x38;
	[tilespmem:$0x1A400] =	vst v63  }
0xf: {  	_ =	swait.ge [sflag:s9], $0x3E80  }
0x10: {  	[sflag:s9] =	ssyncset.done $0x0  }
0x11: {  	[sflag:s9] =	ssyncadd.s32 $0xFFFFC180  }
0x12: {  	[tilespmem:s10], [sflag:$0x1] =	stream.linear.gather [hbm4b:s4+s3], $0x2800, $0x38;
	[tilespmem:$0x1A400] =	vst v63  }
0x13: {  	_ =	swait.ge [sflag:s9], $0x2800  }
0x14: {  	[sflag:s9] =	ssyncset.done $0x0  }
0x15: {  	[sflag:s9] =	ssyncadd.s32 $0xFFFFD800  }
0x16: {  	[spmem:s12], [sflag:s11] =	dma.local [hbm:s5], $0x2780  }
0x17: {  	_ =	swait.ge [sflag:s9], $0x2780  }
0x18: {  	[sflag:s9] =	ssyncset.done $0x0  }
0x19: {  	[sflag:s9] =	ssyncadd.s32 $0xFFFFD880  }
0x1a: {  	s15 =	simm.s32 $0x0;
	[bflag:$0x0] =	sbarrier.arrive $0xFFFF  }
0x1b: {  	[spmem:s1] =	stream.indirect.scatter.add.f32 [tilespmem:s10], [sflag:$0x1], $0x80, s15, s13, $0xb8;
	[tilespmem:$0x1A400] =	vst v63  }
0x1c: {  	_ =	swait.ge [sflag:s9], $0x2800  }
0x1d: {  	s15 =	simm.s32 $0x200;
	[sflag:s9] =	ssyncset.done $0x0  }
.LBB2_2:
0x1e: {  	s16 =	sshra.s32 s15, $0x2;
	[sflag:s9] =	ssyncadd.s32 $0xFFFFD800;
	p0 =	sne.s32 s15, $0xF800  }
0x1f: {  	[spmem:s1] =	stream.indirect.scatter.add.f32 [tilespmem:s10], [sflag:$0x1], $0x80, s16, s13, $0xb8;
	[tilespmem:$0x1A400] =	vst v63  }
.Ltmp0:
0x20: {  	_ = 	snop;
	(pc) =	sbr.rel @p0 .LBB2_2-.Ltmp0, $4  }
0x21: {  	_ = 	snop  }
0x22: {  	s15 =	sadd.s32 $0x200, s15  }
0x23: {  	_ =	swait.ge [sflag:s9], $0x2800  }
0x24: {  	[sflag:s9] =	ssyncset.done $0x0  }
0x25: {  	s14 =	sadd.s32 $0x1, s14  }
0x26: {  	[sflag:s9] =	ssyncadd.s32 $0xFFFFD800;
	p0 =	sne.s32 s14, s8  }
.Ltmp1:
0x27: {  	[bflag:$0x0] =	sbarrier.arrive $0xFFFF;
	(pc) =	sbr.rel @p0 .LBB2_1-.Ltmp1, $4  }
0x28: {  	[hbm:s7], [sflag:s11] =	dma.local [spmem:s12], $0x2780  }
0x29: {  	_ =	swait.ge [sflag:s9], $0x2780  }
0x2a: {  	[sflag:s9] =	ssyncset.done $0x0  }
0x2b: {  	[sflag:s9] =	ssyncadd.s32 $0xFFFFD880  }
0x2c: {  	_ =	sfence.sel $0x180000  }
0x2d: {  	[bflag:$0x0] =	sbarrier.arrive $0xFFFF  }
0x2e: {  	p0 =	sne.s32 s2, $0x0;
	_ =	strace $0x90000047  }
0x2f: {  	s0 =	sadd.s32 @!p0 $0x100000, s0;
	[bflag:$0x2] =	sbarrier.arrive $0xFFFF  }
0x30: {  	[sflag:s0] =	ssyncadd.tile.s32 @!p0 $0x1;
	_ =	shalt  }
.Lfunc_end2:
_tile_overlayer_lowered:
.L_overlay_start_2:
0x31: {  	(tag) =	ssettag $0x2  }
0x32: {  	s0 =	rddreg [dreg:$0x0];
	s2 =	stileid.u32  }
0x33: {  	s1 =	rddreg [dreg:$0x1];
	p0 =	sne.s32 s2, $0x0  }
0x34: {  	s3 =	rddreg [dreg:$0x2];
	[bflag:$0x3] =	sbarrier.arrive $0xFFFF;
	s2 =	simm.s32 @!p0 $0x1C01  }
0x35: {  	[timem:s3], [sflag:s2] =	dma.local @!p0 [hbm:s0], s1  }
0x36: {  	s0 =	simm.s32 @!p0 $0x1  }
0x37: {  	_ =	swait.ge @!p0 [sflag:s0], s1  }
0x38: {  	s1 =	ssub.s32 @!p0 $0x0, s1;
	[sflag:s0] =	ssyncset.done @!p0 $0x0  }
0x39: {  	[sflag:s0] =	ssyncadd.s32 @!p0 s1  }
0x3a: {  	[bflag:$0x3] =	sbarrier.arrive $0xFFFF  }
0x3b: {  	_ =	shalt  }

// kernel: kernel.13.cloned.1.call-start
scs
__scs_entry_jumppad:
0x0: {  	(pc) =	sbr.rel $0x88, $3  }
0x1: {  	(tag) =	ssettag $0x0;
	lr =	simm.s32 $0x1  }
0x2: {  	[smem:$0x3F8E] =	sst lr;
	_ =	strace $0xD0000000  }
0x3: {  	_ = 	snop  }
0x4: {  	_ = 	snop  }
0x5: {  	_ = 	snop  }
0x6: {  	_ = 	snop  }
0x7: {  	_ = 	snop  }
__scs_overlays_trampoline_lowered:
0x8: {  	[smem:$0x3F9D] =	sst s0  }
0x9: {  	[smem:$0x3F9E] =	sst s1  }
0xa: {  	[smem:$0x3F9F] =	sst s2  }
0xb: {  	[smem:$0x3FA0] =	sst s3  }
0xc: {  	[smem:$0x3FA1] =	sst s4  }
0xd: {  	[smem:$0x3FA2] =	sst s5  }
0xe: {  	[smem:$0x3FA3] =	sst s6  }
0xf: {  	[smem:$0x3FA4] =	sst s7  }
0x10: {  	[smem:$0x3FA5] =	sst s8  }
0x11: {  	[smem:$0x3FA6] =	sst s9;
	s0 =	simm.s32 @!p0 $0x0  }
0x12: {  	s1 =	sld [smem:$0x3F8C];
	s0 =	simm.s32 @p0 $0x1  }
0x13: {  	[smem:$0x3FA7] =	sst s0;
	s0 =	simm.s32 @!p1 $0x0  }
0x14: {  	s2 =	sld [smem:$0x3F8B];
	s0 =	simm.s32 @p1 $0x1  }
0x15: {  	[smem:$0x3FA8] =	sst s0;
	s0 =	simm.s32 @!p2 $0x0  }
0x16: {  	s3 =	sld [smem:$0x3FDB];
	s0 =	simm.s32 @p2 $0x1  }
0x17: {  	s4 =	simm.s32 $0x1BF5;
	[smem:$0x3FAA] =	sst s0  }
0x18: {  	s0 =	sld [smem:$0x3F8D];
	_ =	swait.ge [sflag:s4], $0x0  }
0x19: {  	s7 =	sld [smem:$0x3F8E]  }
0x1a: {  	s8 =	sadd.s32 $0xFFFFE003, lr  }
0x1b: {  	s9 =	sadd.s32 $0xFFFFFEF7, lr;
	s5 =	simm.s32 $0xFFFFFFFF;
	p2 =	slt.u32 s8, $0xFFFFF086  }
0x1c: {  	p1 =	slt.u32 s9, $0xF7A;
	s5 =	simm.s32 @!p2 $0x0  }
0x1d: {  	s5 =	simm.s32 @p1 $0x1;
	p0 =	seq.s32 s7, s2  }
0x1e: {  	s7 =	smul.u32 @!p0 $0xF7A, s2;
	p2 =	seq.s32 @!p0 s5, $0x0  }
0x1f: {  	s9 =	smul.u32 $0xF7A, s1;
	s8 =	simm.s32 @!p0 $0x1BF5;
	p2 =	por !p2, p0  }
0x20: {  	[sflag:s8] =	ssyncset.s32 @!p0 $0xFFFFF086;
	s6 =	sadd.s32 @!p0 s3, s7;
	s7 =	simm.s32 @!p0 $0x108  }
0x21: {  	s3 =	sadd.s32 s3, s9;
	s6 =	sadd.s32 @!p0 $0x88, s6;
	s7 =	simm.s32 @p2 $0x1082  }
0x22: {  	[simem:s7], [sflag:s8] =	dma.local @!p0 [hbm:s6], $0xF7A  }
0x23: {  	s9 =	sor.u32 $0xD0000000, s2;
	s6 =	simm.s32 $0x108;
	_ =	swait.ge @!p0 [sflag:s8], $0x0  }
0x24: {  	s3 =	sadd.s32 $0x88, s3;
	s6 =	simm.s32 @!p1 $0x1082;
	[sflag:s4] =	ssyncset.s32 $0xFFFFF086  }
0x25: {  	[simem:s6], [sflag:s4] =	dma.local [hbm:s3], $0xF7A  }
0x26: {  	[smem:$0x3F8E] =	sst s1;
	(tag) =	ssettag s2;
	_ =	strace s9  }
0x27: {  	s1 =	sld [smem:$0x3F9E]  }
0x28: {  	s2 =	sld [smem:$0x3F9F]  }
0x29: {  	s4 =	sld [smem:$0x3FA1]  }
0x2a: {  	p0 =	seq.s32 s5, $0x0;
	s5 =	sld [smem:$0x3FA2]  }
0x2b: {  	s6 =	sld [smem:$0x3FA3]  }
0x2c: {  	s7 =	sld [smem:$0x3FA4]  }
0x2d: {  	s3 =	simm.s32 $0x108;
	s8 =	sld [smem:$0x3FA5]  }
0x2e: {  	s3 =	simm.s32 @!p0 $0x1082;
	s9 =	sld [smem:$0x3FA6]  }
0x2f: {  	lr =	sadd.s32 s0, s3;
	s0 =	sld [smem:$0x3F9D]  }
0x30: {  	s3 =	sld [smem:$0x3FA0]  }
0x31: {  	[smem:$0x3FA9] =	sst s10  }
0x32: {  	s10 =	sld [smem:$0x3FA7];
	_ =	sdelay $0x3  }
0x33: {  	p0 =	seq.s32 s10, $0x1;
	s10 =	sld [smem:$0x3FA9];
	_ =	sdelay $0x3  }
0x34: {  	[smem:$0x3FA9] =	sst s10  }
0x35: {  	s10 =	sld [smem:$0x3FA8];
	_ =	sdelay $0x3  }
0x36: {  	p1 =	seq.s32 s10, $0x1;
	s10 =	sld [smem:$0x3FA9];
	_ =	sdelay $0x3  }
0x37: {  	[smem:$0x3FA9] =	sst s10  }
0x38: {  	s10 =	sld [smem:$0x3FAA]  }
0x39: {  	_ = 	snop;
	(pc) =	sbr.ind lr, $3  }
0x3a: {  	_ = 	snop  }
0x3b: {  	_ = 	snop  }
0x3c: {  	p2 =	seq.s32 s10, $0x1;
	s10 =	sld [smem:$0x3FA9]  }
0x3d: {  	_ =	shalt  }
0x3e: {  	_ =	shalt  }
0x3f: {  	_ =	shalt  }
0x40: {  	_ =	shalt  }
0x41: {  	_ =	shalt  }
0x42: {  	_ =	shalt  }
0x43: {  	_ =	shalt  }
0x44: {  	_ =	shalt  }
0x45: {  	_ =	shalt  }
0x46: {  	_ =	shalt  }
0x47: {  	_ =	shalt  }
0x48: {  	_ =	shalt  }
0x49: {  	_ =	shalt  }
0x4a: {  	_ =	shalt  }
0x4b: {  	_ =	shalt  }
0x4c: {  	_ =	shalt  }
0x4d: {  	_ =	shalt  }
0x4e: {  	_ =	shalt  }
0x4f: {  	_ =	shalt  }
0x50: {  	_ =	shalt  }
0x51: {  	_ =	shalt  }
0x52: {  	_ =	shalt  }
0x53: {  	_ =	shalt  }
0x54: {  	_ =	shalt  }
0x55: {  	_ =	shalt  }
0x56: {  	_ =	shalt  }
0x57: {  	_ =	shalt  }
0x58: {  	_ =	shalt  }
0x59: {  	_ =	shalt  }
0x5a: {  	_ =	shalt  }
0x5b: {  	_ =	shalt  }
0x5c: {  	_ =	shalt  }
0x5d: {  	_ =	shalt  }
0x5e: {  	_ =	shalt  }
0x5f: {  	_ =	shalt  }
0x60: {  	_ =	shalt  }
0x61: {  	_ =	shalt  }
0x62: {  	_ =	shalt  }
0x63: {  	_ =	shalt  }
0x64: {  	_ =	shalt  }
0x65: {  	_ =	shalt  }
0x66: {  	_ =	shalt  }
0x67: {  	_ =	shalt  }
0x68: {  	_ =	shalt  }
0x69: {  	_ =	shalt  }
0x6a: {  	_ =	shalt  }
0x6b: {  	_ =	shalt  }
0x6c: {  	_ =	shalt  }
0x6d: {  	_ =	shalt  }
0x6e: {  	_ =	shalt  }
0x6f: {  	_ =	shalt  }
0x70: {  	_ =	shalt  }
0x71: {  	_ =	shalt  }
0x72: {  	_ =	shalt  }
0x73: {  	_ =	shalt  }
0x74: {  	_ =	shalt  }
0x75: {  	_ =	shalt  }
0x76: {  	_ =	shalt  }
0x77: {  	_ =	shalt  }
0x78: {  	_ =	shalt  }
0x79: {  	_ =	shalt  }
0x7a: {  	_ =	shalt  }
0x7b: {  	_ =	shalt  }
0x7c: {  	_ =	shalt  }
0x7d: {  	_ =	shalt  }
0x7e: {  	_ =	shalt  }
0x7f: {  	_ =	shalt  }
0x80: {  	_ =	shalt  }
0x81: {  	_ =	shalt  }
0x82: {  	_ =	shalt  }
0x83: {  	_ =	shalt  }
0x84: {  	_ =	shalt  }
0x85: {  	_ =	shalt  }
0x86: {  	_ =	shalt  }
0x87: {  	_ =	shalt  }
.Lfunc_end0:
.L_simem_size_0:
called_computation.1_lowered:
.L_overlay_start_0:
0x88: {  	s2 =	sld [smem:$0x3FD9]  }
0x89: {  	s3 =	sld [smem:$0x3FFE];
	_ =	sdelay $0x1  }
0x8a: {  	s1 =	srdreg.scid  }
0x8b: {  	s0 =	sand.u32 $0x1, s1  }
0x8c: {  	s16 =	sshll.u32 s0, $0xA;
	s2 =	sadd.s32 s3, s2  }
0x8d: {  	s2 =	sadd.s32 s2, s16  }
0x8e: {  	[smem:$0x3FB5] =	sst s2  }
0x8f: {  	_ = 	snop  }
0x90: {  	(tm) =	ssettm $0x1  }
0x91: {  	s17 =	sld [smem:$0x3FFB];
	_ =	sdelay $0x3  }
0x92: {  	_ =	strace s17  }
0x93: {  	s2 =	sld [smem:$0x3FFC];
	_ =	sdelay $0x3  }
0x94: {  	_ =	strace s2  }
0x95: {  	s2 =	sld [smem:$0x3FFD];
	_ =	sdelay $0x3  }
0x96: {  	_ =	strace s2  }
0x97: {  	_ =	strace $0x8FFFFFFF  }
0x98: {  	s18 =	sld [smem:$0x3FDB];
	_ =	sdelay $0x1  }
0x99: {  	s19 =	simm.s32 $_scs_section_size  }
0x9a: {  	s4 =	simm.s32 $_size__tile_overlayer_lowered;
	s5 =	simm.s32 $_tile_overlayer_lowered  }
0x9b: {  	s22 =	simm.s32 $0x1BFF;
	s21 =	sshll.u32 s5, $0x1;
	s2 =	sadd.s32 s19, s18  }
0x9c: {  	s6 =	simm.s32 $0x0;
	s20 =	sshll.u32 s4, $0x1;
	s4 =	sadd.s32 s21, s2  }
0x9d: {  	[timem:s6], [sflag:s22] =	dma.local [hbm:s4], s20  }
0x9e: {  	_ =	swait.ge [sflag:s22], s20  }
0x9f: {  	s3 =	ssub.s32 $0x0, s20;
	[sflag:s22] =	ssyncset.done $0x0  }
0xa0: {  	[sflag:s22] =	ssyncadd.s32 s3;
	_ =	sdelay $0x1  }
0xa1: {  	s23 =	simm.s32 $0x1B8B  }
0xa2: {  	_ =	swait.ge [sflag:s23], $0x1  }
0xa3: {  	[sflag:s23] =	ssyncset.done $0x0  }
0xa4: {  	s25 =	simm.s32 $0x1B8E;
	s24 =	sld [smem:$0x3FFE];
	[sflag:s23] =	ssyncadd.s32 $0xFFFFFFFF  }
0xa5: {  	s26 =	simm.s32 $execute0_lowered;
	[smem:$0x3FD2] =	sst s25  }
0xa6: {  	s4 =	sshll.u32 s26, $0x1;
	_ =	strace $0x80000049;
	[dreg:$0x1] =	wrdreg $0xFFFFFFFF  }
0xa7: {  	s28 =	simm.s32 $_size_execute0_lowered;
	s2 =	sadd.s32 s2, s4;
	[dreg:$0x0] =	wrdreg $0x0  }
0xa8: {  	s4 =	sshll.u32 s28, $0x1;
	[dreg:$0x2] =	wrdreg s2  }
0xa9: {  	[dreg:$0x3] =	wrdreg s4  }
0xaa: {  	[dreg:$0x4] =	wrdreg $0xC0  }
0xab: {  	_ =	task [dreg:s6], $0x5FFFF  }
0xac: {  	[dreg:$0x1] =	wrdreg $0xFFFFFFFF  }
0xad: {  	[dreg:$0x0] =	wrdreg $0x60  }
0xae: {  	[dreg:$0x2] =	wrdreg s24  }
0xaf: {  	[dreg:$0x3] =	wrdreg $0xA8000  }
0xb0: {  	[dreg:$0x4] =	wrdreg $0x9  }
0xb1: {  	_ =	task.clear_ibuf [dreg:s6], $0x5FFFF;
	_ =	strace $0x90000049  }
0xb2: {  	s29 =	simm.s32 $0x9;
	_ =	strace $0x8000004B  }
0xb3: {  	_ =	swait.ge [sflag:s29], $0x1  }
0xb4: {  	[sflag:s29] =	ssyncadd.s32 $0xFFFFFFFF  }
0xb5: {  	_ =	strace $0x9000004B  }
0xb6: {  	_ =	sfence  }
0xb7: {  	s30 =	sld [smem:$0x0];
	_ =	sdelay $0x2  }
0xb8: {  	s31 =	sshll.u32 s1, $0xD;
	s1 =	sshrl.u32 s1, $0x2  }
0xb9: {  	s3 =	sand.u32 $0x4000, s31;
	s1 =	sadd.s32 s1, s30  }
0xba: {  	s0 =	sor.u32 s3, s0;
	s1 =	sshll.u32 s1, $0x11  }
0xbb: {  	s0 =	sor.u32 s1, s0  }
0xbc: {  	s0 =	sadd.s32 $0x8F2B, s0  }
0xbd: {  	[sflag:s0] =	ssyncadd.remote.s32 $0x1  }
0xbe: {  	_ =	sfence.sel $0xFFFF  }
0xbf: {  	[dreg:$0x0] =	wrdreg $0xFFFFFFFF;
	(pc) =	sbr.abs _section_cstart, $3  }
0xc0: {  	[dreg:$0x1] =	wrdreg $0xFFFFFFFF  }
0xc1: {  	_ =	task.clear_ibuf [dreg:s6], $0x2FFFF;
	_ =	strace $0x9FFFFFFF  }
0xc2: {  	(tm) =	ssettm $0x7FFFFFFF  }
0xc3: {  	_ =	shalt  }
tec
execute0_lowered:
.L_overlay_start_1:
0x0: {  	(tag) =	ssettag $0x1  }
0x1: {  	s6 =	rddreg [dreg:$0x0]  }
0x2: {  	s1 =	rddreg [dreg:$0x1]  }
0x3: {  	s0 =	rddreg [dreg:$0x2]  }
0x4: {  	s3 =	simm.s32 $0x0;
	s2 =	srdreg.scid;
	s14 =	simm.s32 $0x50  }
0x5: {  	s15 =	simm.s32 $0x8000;
	s16 =	simm.s32 $0x1;
	s17 =	simm.s32 $0x0  }
0x6: {  	[smem:$0x7FF] =	sst s3;
	s5 =	sand.u32 $0x1, s2;
	s2 =	stileid.u32  }
0x7: {  	s4 =	sadd.s32 $0x16800, s6;
	s7 =	smul.u32 $0x13C000, s5;
	s8 =	sshll.u32 s2, $0xC  }
0x8: {  	s9 =	sshll.u32 s5, $0xB;
	s10 =	smul.u32 $0x13C00, s2;
	_ =	strace $0x8000004A  }
0x9: {  	s28 =	ssub.s32 $0x2, s5;
	s11 =	smul.u32 $0x4F000, s2;
	s5 =	sadd.s32 $0x14000, s6  }
0xa: {  	s31 =	sshll.u32 s2, $0x6;
	s8 =	sor.u32 s9, s8;
	s29 =	sshrl.u32 s28, $0x1  }
0xb: {  	s8 =	sadd.s32 s8, s6;
	s7 =	sadd.s32 s10, s7;
	s9 =	ssub.s32 s28, s29  }
0xc: {  	s30 =	sshrl.u32 s11, $0x2;
	s10 =	simm.s32 $0x2;
	s11 =	simm.s32 $0x4000  }
0xd: {  	s7 =	sshrl.u32 s7, $0x3;
	s13 =	sadd.s32 s30, s1;
	s9 =	smax.u32 s9, $0x1  }
0xe: {  	s12 =	sadd.s32 s7, s6;
	s6 =	sadd.s32 $0x65E00, s8;
	s7 =	sadd.s32 $0x4000, s8  }
0xf: {  	s13 =	sshrl.u32 s13, $0x3;
	s8 =	sadd.s32 $0x75E00, s12;
	s12 =	sor.u32 $0x1C02, s31  }
.LBB2_1:
0x10: {  	[tilespmem:s3], [sflag:$0x2] =	stream.linear.gather [hbm4b:s6+s3], $0x3E80, $0x38;
	[tilespmem:$0x1E400] =	vst v63  }
0x11: {  	_ =	swait.ge [sflag:s10], $0x3E80  }
0x12: {  	[sflag:s10] =	ssyncset.done $0x0  }
0x13: {  	[sflag:s10] =	ssyncadd.s32 $0xFFFFC180  }
0x14: {  	[tilespmem:s11], [sflag:$0x2] =	stream.linear.gather [hbm4b:s7+s3], $0x3E80, $0x38;
	[tilespmem:$0x1E400] =	vst v63  }
0x15: {  	_ =	swait.ge [sflag:s10], $0x3E80  }
0x16: {  	[sflag:s10] =	ssyncset.done $0x0  }
0x17: {  	[sflag:s10] =	ssyncadd.s32 $0xFFFFC180  }
0x18: {  	[spmem:s13], [sflag:s12] =	dma.local [hbm:s5], $0x2780  }
0x19: {  	_ =	swait.ge [sflag:s10], $0x2780  }
0x1a: {  	[sflag:s10] =	ssyncset.done $0x0  }
0x1b: {  	[sflag:s10] =	ssyncadd.s32 $0xFFFFD880  }
0x1c: {  	s18 =	simm.s32 $0x0;
	[bflag:$0x0] =	sbarrier.arrive $0xFFFF  }
0x1d: {  	[tilespmem:s15], [sflag:$0x1] =	stream.indirect.gather [hbm4b:s4+s14], $0x80, s18, s14, $0xb8;
	[tilespmem:$0x1E400] =	vst v63  }
0x1e: {  	_ =	swait.ge [sflag:s16], $0x2800  }
0x1f: {  	[sflag:s16] =	ssyncset.done $0x0  }
0x20: {  	s31 =	simm.s32 $0x4000;
	[sflag:s16] =	ssyncadd.s32 $0xFFFFD800  }
0x21: {  	[spmem:s1] =	stream.indirect.scatter.add.f32 [tilespmem:s15], [sflag:$0x2], $0x80, s31, s14, $0xb8;
	[tilespmem:$0x1E400] =	vst v63  }
0x22: {  	_ =	swait.ge [sflag:s10], $0x2800  }
0x23: {  	s19 =	simm.s32 $0x400;
	s18 =	simm.s32 $0x200;
	[sflag:s10] =	ssyncset.done $0x0  }
.LBB2_2:
0x24: {  	s20 =	sshra.s32 s18, $0x2  }
0x25: {  	[sflag:s10] =	ssyncadd.s32 $0xFFFFD800;
	s18 =	smov.u32 s19;
	s21 =	sadd.s32 $0x200, s19  }
0x26: {  	[tilespmem:s15], [sflag:$0x1] =	stream.indirect.gather [hbm4b:s4+s14], $0x80, s20, s14, $0xb8;
	[tilespmem:$0x1E400] =	vst v63  }
0x27: {  	p0 =	sne.s32 s19, $0xF800;
	_ =	swait.ge [sflag:s16], $0x2800  }
.Ltmp0:
0x28: {  	[sflag:s16] =	ssyncset.done $0x0;
	(pc) =	sbr.rel @p0 .LBB2_2-.Ltmp0, $4  }
0x29: {  	s19 =	sadd.s32 $0x4000, s20;
	[sflag:s16] =	ssyncadd.s32 $0xFFFFD800  }
0x2a: {  	[spmem:s1] =	stream.indirect.scatter.add.f32 [tilespmem:s15], [sflag:$0x2], $0x80, s19, s14, $0xb8;
	[tilespmem:$0x1E400] =	vst v63  }
0x2b: {  	_ =	swait.ge [sflag:s10], $0x2800  }
0x2c: {  	s19 =	smov.u32 s21;
	[sflag:s10] =	ssyncset.done $0x0  }
0x2d: {  	s18 =	sshra.s32 s18, $0x2;
	[sflag:s10] =	ssyncadd.s32 $0xFFFFD800  }
0x2e: {  	[tilespmem:s15], [sflag:$0x1] =	stream.indirect.gather [hbm4b:s4+s14], $0x80, s18, s14, $0xb8;
	[tilespmem:$0x1E400] =	vst v63  }
0x2f: {  	_ =	swait.ge [sflag:s16], $0x2800  }
0x30: {  	[sflag:s16] =	ssyncset.done $0x0  }
0x31: {  	s18 =	sadd.s32 $0x4000, s18;
	[sflag:s16] =	ssyncadd.s32 $0xFFFFD800  }
0x32: {  	[spmem:s1] =	stream.indirect.scatter.add.f32 [tilespmem:s15], [sflag:$0x2], $0x80, s18, s14, $0xb8;
	[tilespmem:$0x1E400] =	vst v63  }
0x33: {  	_ =	swait.ge [sflag:s10], $0x2800  }
0x34: {  	s17 =	sadd.s32 $0x1, s17;
	[sflag:s10] =	ssyncset.done $0x0  }
0x35: {  	p0 =	sne.s32 s17, s9;
	[sflag:s10] =	ssyncadd.s32 $0xFFFFD800  }
.Ltmp1:
0x36: {  	[bflag:$0x0] =	sbarrier.arrive $0xFFFF;
	(pc) =	sbr.rel @p0 .LBB2_1-.Ltmp1, $4  }
0x37: {  	[hbm:s8], [sflag:s12] =	dma.local [spmem:s13], $0x2780  }
0x38: {  	_ =	swait.ge [sflag:s10], $0x2780  }
0x39: {  	[sflag:s10] =	ssyncset.done $0x0  }
0x3a: {  	[sflag:s10] =	ssyncadd.s32 $0xFFFFD880  }
0x3b: {  	_ =	sfence.sel $0x180000  }
0x3c: {  	[bflag:$0x0] =	sbarrier.arrive $0xFFFF  }
0x3d: {  	p0 =	sne.s32 s2, $0x0;
	_ =	strace $0x9000004A  }
0x3e: {  	s0 =	sadd.s32 @!p0 $0x100000, s0;
	[bflag:$0x2] =	sbarrier.arrive $0xFFFF  }
0x3f: {  	[sflag:s0] =	ssyncadd.tile.s32 @!p0 $0x1;
	_ =	shalt  }
.Lfunc_end2:
_tile_overlayer_lowered:
.L_overlay_start_2:
0x40: {  	(tag) =	ssettag $0x2  }
0x41: {  	s0 =	rddreg [dreg:$0x0];
	s2 =	stileid.u32  }
0x42: {  	s1 =	rddreg [dreg:$0x1];
	p0 =	sne.s32 s2, $0x0  }
0x43: {  	s3 =	rddreg [dreg:$0x2];
	[bflag:$0x3] =	sbarrier.arrive $0xFFFF;
	s2 =	simm.s32 @!p0 $0x1C02  }
0x44: {  	[timem:s3], [sflag:s2] =	dma.local @!p0 [hbm:s0], s1  }
0x45: {  	s0 =	simm.s32 @!p0 $0x2  }
0x46: {  	_ =	swait.ge @!p0 [sflag:s0], s1  }
0x47: {  	s1 =	ssub.s32 @!p0 $0x0, s1;
	[sflag:s0] =	ssyncset.done @!p0 $0x0  }
0x48: {  	[sflag:s0] =	ssyncadd.s32 @!p0 s1  }
0x49: {  	[bflag:$0x3] =	sbarrier.arrive $0xFFFF  }
0x4a: {  	_ =	shalt  }

// kernel: kernel.16.cloned.1.call-start
scs
__scs_entry_jumppad:
0x0: {  	(pc) =	sbr.rel $0x88, $3  }
0x1: {  	(tag) =	ssettag $0x0;
	lr =	simm.s32 $0x1  }
0x2: {  	[smem:$0x3F8E] =	sst lr;
	_ =	strace $0xD0000000  }
0x3: {  	_ = 	snop  }
0x4: {  	_ = 	snop  }
0x5: {  	_ = 	snop  }
0x6: {  	_ = 	snop  }
0x7: {  	_ = 	snop  }
__scs_overlays_trampoline_lowered:
0x8: {  	[smem:$0x3F9D] =	sst s0  }
0x9: {  	[smem:$0x3F9E] =	sst s1  }
0xa: {  	[smem:$0x3F9F] =	sst s2  }
0xb: {  	[smem:$0x3FA0] =	sst s3  }
0xc: {  	[smem:$0x3FA1] =	sst s4  }
0xd: {  	[smem:$0x3FA2] =	sst s5  }
0xe: {  	[smem:$0x3FA3] =	sst s6  }
0xf: {  	[smem:$0x3FA4] =	sst s7  }
0x10: {  	[smem:$0x3FA5] =	sst s8  }
0x11: {  	[smem:$0x3FA6] =	sst s9;
	s0 =	simm.s32 @!p0 $0x0  }
0x12: {  	s1 =	sld [smem:$0x3F8C];
	s0 =	simm.s32 @p0 $0x1  }
0x13: {  	[smem:$0x3FA7] =	sst s0;
	s0 =	simm.s32 @!p1 $0x0  }
0x14: {  	s2 =	sld [smem:$0x3F8B];
	s0 =	simm.s32 @p1 $0x1  }
0x15: {  	[smem:$0x3FA8] =	sst s0;
	s0 =	simm.s32 @!p2 $0x0  }
0x16: {  	s3 =	sld [smem:$0x3FDB];
	s0 =	simm.s32 @p2 $0x1  }
0x17: {  	s4 =	simm.s32 $0x1BF5;
	[smem:$0x3FAA] =	sst s0  }
0x18: {  	s0 =	sld [smem:$0x3F8D];
	_ =	swait.ge [sflag:s4], $0x0  }
0x19: {  	s7 =	sld [smem:$0x3F8E]  }
0x1a: {  	s8 =	sadd.s32 $0xFFFFE003, lr  }
0x1b: {  	s9 =	sadd.s32 $0xFFFFFEF7, lr;
	s5 =	simm.s32 $0xFFFFFFFF;
	p2 =	slt.u32 s8, $0xFFFFF086  }
0x1c: {  	p1 =	slt.u32 s9, $0xF7A;
	s5 =	simm.s32 @!p2 $0x0  }
0x1d: {  	s5 =	simm.s32 @p1 $0x1;
	p0 =	seq.s32 s7, s2  }
0x1e: {  	s7 =	smul.u32 @!p0 $0xF7A, s2;
	p2 =	seq.s32 @!p0 s5, $0x0  }
0x1f: {  	s9 =	smul.u32 $0xF7A, s1;
	s8 =	simm.s32 @!p0 $0x1BF5;
	p2 =	por !p2, p0  }
0x20: {  	[sflag:s8] =	ssyncset.s32 @!p0 $0xFFFFF086;
	s6 =	sadd.s32 @!p0 s3, s7;
	s7 =	simm.s32 @!p0 $0x108  }
0x21: {  	s3 =	sadd.s32 s3, s9;
	s6 =	sadd.s32 @!p0 $0x88, s6;
	s7 =	simm.s32 @p2 $0x1082  }
0x22: {  	[simem:s7], [sflag:s8] =	dma.local @!p0 [hbm:s6], $0xF7A  }
0x23: {  	s9 =	sor.u32 $0xD0000000, s2;
	s6 =	simm.s32 $0x108;
	_ =	swait.ge @!p0 [sflag:s8], $0x0  }
0x24: {  	s3 =	sadd.s32 $0x88, s3;
	s6 =	simm.s32 @!p1 $0x1082;
	[sflag:s4] =	ssyncset.s32 $0xFFFFF086  }
0x25: {  	[simem:s6], [sflag:s4] =	dma.local [hbm:s3], $0xF7A  }
0x26: {  	[smem:$0x3F8E] =	sst s1;
	(tag) =	ssettag s2;
	_ =	strace s9  }
0x27: {  	s1 =	sld [smem:$0x3F9E]  }
0x28: {  	s2 =	sld [smem:$0x3F9F]  }
0x29: {  	s4 =	sld [smem:$0x3FA1]  }
0x2a: {  	p0 =	seq.s32 s5, $0x0;
	s5 =	sld [smem:$0x3FA2]  }
0x2b: {  	s6 =	sld [smem:$0x3FA3]  }
0x2c: {  	s7 =	sld [smem:$0x3FA4]  }
0x2d: {  	s3 =	simm.s32 $0x108;
	s8 =	sld [smem:$0x3FA5]  }
0x2e: {  	s3 =	simm.s32 @!p0 $0x1082;
	s9 =	sld [smem:$0x3FA6]  }
0x2f: {  	lr =	sadd.s32 s0, s3;
	s0 =	sld [smem:$0x3F9D]  }
0x30: {  	s3 =	sld [smem:$0x3FA0]  }
0x31: {  	[smem:$0x3FA9] =	sst s10  }
0x32: {  	s10 =	sld [smem:$0x3FA7];
	_ =	sdelay $0x3  }
0x33: {  	p0 =	seq.s32 s10, $0x1;
	s10 =	sld [smem:$0x3FA9];
	_ =	sdelay $0x3  }
0x34: {  	[smem:$0x3FA9] =	sst s10  }
0x35: {  	s10 =	sld [smem:$0x3FA8];
	_ =	sdelay $0x3  }
0x36: {  	p1 =	seq.s32 s10, $0x1;
	s10 =	sld [smem:$0x3FA9];
	_ =	sdelay $0x3  }
0x37: {  	[smem:$0x3FA9] =	sst s10  }
0x38: {  	s10 =	sld [smem:$0x3FAA]  }
0x39: {  	_ = 	snop;
	(pc) =	sbr.ind lr, $3  }
0x3a: {  	_ = 	snop  }
0x3b: {  	_ = 	snop  }
0x3c: {  	p2 =	seq.s32 s10, $0x1;
	s10 =	sld [smem:$0x3FA9]  }
0x3d: {  	_ =	shalt  }
0x3e: {  	_ =	shalt  }
0x3f: {  	_ =	shalt  }
0x40: {  	_ =	shalt  }
0x41: {  	_ =	shalt  }
0x42: {  	_ =	shalt  }
0x43: {  	_ =	shalt  }
0x44: {  	_ =	shalt  }
0x45: {  	_ =	shalt  }
0x46: {  	_ =	shalt  }
0x47: {  	_ =	shalt  }
0x48: {  	_ =	shalt  }
0x49: {  	_ =	shalt  }
0x4a: {  	_ =	shalt  }
0x4b: {  	_ =	shalt  }
0x4c: {  	_ =	shalt  }
0x4d: {  	_ =	shalt  }
0x4e: {  	_ =	shalt  }
0x4f: {  	_ =	shalt  }
0x50: {  	_ =	shalt  }
0x51: {  	_ =	shalt  }
0x52: {  	_ =	shalt  }
0x53: {  	_ =	shalt  }
0x54: {  	_ =	shalt  }
0x55: {  	_ =	shalt  }
0x56: {  	_ =	shalt  }
0x57: {  	_ =	shalt  }
0x58: {  	_ =	shalt  }
0x59: {  	_ =	shalt  }
0x5a: {  	_ =	shalt  }
0x5b: {  	_ =	shalt  }
0x5c: {  	_ =	shalt  }
0x5d: {  	_ =	shalt  }
0x5e: {  	_ =	shalt  }
0x5f: {  	_ =	shalt  }
0x60: {  	_ =	shalt  }
0x61: {  	_ =	shalt  }
0x62: {  	_ =	shalt  }
0x63: {  	_ =	shalt  }
0x64: {  	_ =	shalt  }
0x65: {  	_ =	shalt  }
0x66: {  	_ =	shalt  }
0x67: {  	_ =	shalt  }
0x68: {  	_ =	shalt  }
0x69: {  	_ =	shalt  }
0x6a: {  	_ =	shalt  }
0x6b: {  	_ =	shalt  }
0x6c: {  	_ =	shalt  }
0x6d: {  	_ =	shalt  }
0x6e: {  	_ =	shalt  }
0x6f: {  	_ =	shalt  }
0x70: {  	_ =	shalt  }
0x71: {  	_ =	shalt  }
0x72: {  	_ =	shalt  }
0x73: {  	_ =	shalt  }
0x74: {  	_ =	shalt  }
0x75: {  	_ =	shalt  }
0x76: {  	_ =	shalt  }
0x77: {  	_ =	shalt  }
0x78: {  	_ =	shalt  }
0x79: {  	_ =	shalt  }
0x7a: {  	_ =	shalt  }
0x7b: {  	_ =	shalt  }
0x7c: {  	_ =	shalt  }
0x7d: {  	_ =	shalt  }
0x7e: {  	_ =	shalt  }
0x7f: {  	_ =	shalt  }
0x80: {  	_ =	shalt  }
0x81: {  	_ =	shalt  }
0x82: {  	_ =	shalt  }
0x83: {  	_ =	shalt  }
0x84: {  	_ =	shalt  }
0x85: {  	_ =	shalt  }
0x86: {  	_ =	shalt  }
0x87: {  	_ =	shalt  }
.Lfunc_end0:
.L_simem_size_0:
called_computation.2_lowered:
.L_overlay_start_0:
0x88: {  	s2 =	sld [smem:$0x3FD9]  }
0x89: {  	s3 =	sld [smem:$0x3FFE];
	_ =	sdelay $0x1  }
0x8a: {  	s1 =	srdreg.scid  }
0x8b: {  	s0 =	sand.u32 $0x1, s1  }
0x8c: {  	s16 =	sshll.u32 s0, $0xA;
	s2 =	sadd.s32 s3, s2  }
0x8d: {  	s2 =	sadd.s32 s2, s16  }
0x8e: {  	[smem:$0x3FB5] =	sst s2  }
0x8f: {  	_ = 	snop  }
0x90: {  	(tm) =	ssettm $0x1  }
0x91: {  	s17 =	sld [smem:$0x3FFB];
	_ =	sdelay $0x3  }
0x92: {  	_ =	strace s17  }
0x93: {  	s2 =	sld [smem:$0x3FFC];
	_ =	sdelay $0x3  }
0x94: {  	_ =	strace s2  }
0x95: {  	s2 =	sld [smem:$0x3FFD];
	_ =	sdelay $0x3  }
0x96: {  	_ =	strace s2  }
0x97: {  	_ =	strace $0x8FFFFFFF  }
0x98: {  	s18 =	sld [smem:$0x3FDB];
	_ =	sdelay $0x1  }
0x99: {  	s19 =	simm.s32 $_scs_section_size  }
0x9a: {  	s4 =	simm.s32 $_size__tile_overlayer_lowered;
	s5 =	simm.s32 $_tile_overlayer_lowered  }
0x9b: {  	s22 =	simm.s32 $0x1BFF;
	s21 =	sshll.u32 s5, $0x1;
	s2 =	sadd.s32 s19, s18  }
0x9c: {  	s6 =	simm.s32 $0x0;
	s20 =	sshll.u32 s4, $0x1;
	s4 =	sadd.s32 s21, s2  }
0x9d: {  	[timem:s6], [sflag:s22] =	dma.local [hbm:s4], s20  }
0x9e: {  	_ =	swait.ge [sflag:s22], s20  }
0x9f: {  	s3 =	ssub.s32 $0x0, s20;
	[sflag:s22] =	ssyncset.done $0x0  }
0xa0: {  	[sflag:s22] =	ssyncadd.s32 s3;
	_ =	sdelay $0x1  }
0xa1: {  	s23 =	simm.s32 $0x1B8B  }
0xa2: {  	_ =	swait.ge [sflag:s23], $0x1  }
0xa3: {  	[sflag:s23] =	ssyncset.done $0x0  }
0xa4: {  	s25 =	simm.s32 $0x1B8E;
	s24 =	sld [smem:$0x3FFE];
	[sflag:s23] =	ssyncadd.s32 $0xFFFFFFFF  }
0xa5: {  	s26 =	simm.s32 $execute0_lowered;
	[smem:$0x3FD2] =	sst s25  }
0xa6: {  	s4 =	sshll.u32 s26, $0x1;
	_ =	strace $0x8000004C;
	[dreg:$0x1] =	wrdreg $0xFFFFFFFF  }
0xa7: {  	s28 =	simm.s32 $_size_execute0_lowered;
	s2 =	sadd.s32 s2, s4;
	[dreg:$0x0] =	wrdreg $0x0  }
0xa8: {  	s4 =	sshll.u32 s28, $0x1;
	[dreg:$0x2] =	wrdreg s2  }
0xa9: {  	[dreg:$0x3] =	wrdreg s4  }
0xaa: {  	[dreg:$0x4] =	wrdreg $0xC0  }
0xab: {  	_ =	task [dreg:s6], $0x5FFFF  }
0xac: {  	[dreg:$0x1] =	wrdreg $0xFFFFFFFF  }
0xad: {  	[dreg:$0x0] =	wrdreg $0x60  }
0xae: {  	[dreg:$0x2] =	wrdreg s24  }
0xaf: {  	[dreg:$0x3] =	wrdreg $0xA8000  }
0xb0: {  	[dreg:$0x4] =	wrdreg $0x9  }
0xb1: {  	_ =	task.clear_ibuf [dreg:s6], $0x5FFFF;
	_ =	strace $0x9000004C  }
0xb2: {  	s29 =	simm.s32 $0x9;
	_ =	strace $0x8000004E  }
0xb3: {  	_ =	swait.ge [sflag:s29], $0x1  }
0xb4: {  	[sflag:s29] =	ssyncadd.s32 $0xFFFFFFFF  }
0xb5: {  	_ =	strace $0x9000004E  }
0xb6: {  	_ =	sfence  }
0xb7: {  	s30 =	sld [smem:$0x0];
	_ =	sdelay $0x2  }
0xb8: {  	s31 =	sshll.u32 s1, $0xD;
	s1 =	sshrl.u32 s1, $0x2  }
0xb9: {  	s3 =	sand.u32 $0x4000, s31;
	s1 =	sadd.s32 s1, s30  }
0xba: {  	s0 =	sor.u32 s3, s0;
	s1 =	sshll.u32 s1, $0x11  }
0xbb: {  	s0 =	sor.u32 s1, s0  }
0xbc: {  	s0 =	sadd.s32 $0x8F2B, s0  }
0xbd: {  	[sflag:s0] =	ssyncadd.remote.s32 $0x1  }
0xbe: {  	_ =	sfence.sel $0xFFFF  }
0xbf: {  	[dreg:$0x0] =	wrdreg $0xFFFFFFFF;
	(pc) =	sbr.abs _section_cstart, $3  }
0xc0: {  	[dreg:$0x1] =	wrdreg $0xFFFFFFFF  }
0xc1: {  	_ =	task.clear_ibuf [dreg:s6], $0x2FFFF;
	_ =	strace $0x9FFFFFFF  }
0xc2: {  	(tm) =	ssettm $0x7FFFFFFF  }
0xc3: {  	_ =	shalt  }
tec
execute0_lowered:
.L_overlay_start_1:
0x0: {  	(tag) =	ssettag $0x1  }
0x1: {  	s6 =	rddreg [dreg:$0x0]  }
0x2: {  	s1 =	rddreg [dreg:$0x1]  }
0x3: {  	s0 =	rddreg [dreg:$0x2]  }
0x4: {  	s3 =	simm.s32 $0x0;
	s2 =	srdreg.scid;
	s14 =	simm.s32 $0x50  }
0x5: {  	s15 =	simm.s32 $0x8000;
	s16 =	simm.s32 $0x1;
	s17 =	simm.s32 $0x0  }
0x6: {  	[smem:$0x7FF] =	sst s3;
	s5 =	sand.u32 $0x1, s2;
	s2 =	stileid.u32  }
0x7: {  	s4 =	sadd.s32 $0x16800, s6;
	s7 =	smul.u32 $0x13C000, s5;
	s8 =	sshll.u32 s2, $0xC  }
0x8: {  	s9 =	sshll.u32 s5, $0xB;
	s10 =	smul.u32 $0x13C00, s2;
	_ =	strace $0x8000004D  }
0x9: {  	s28 =	ssub.s32 $0x2, s5;
	s11 =	smul.u32 $0x4F000, s2;
	s5 =	sadd.s32 $0x14000, s6  }
0xa: {  	s31 =	sshll.u32 s2, $0x6;
	s8 =	sor.u32 s9, s8;
	s29 =	sshrl.u32 s28, $0x1  }
0xb: {  	s8 =	sadd.s32 s8, s6;
	s7 =	sadd.s32 s10, s7;
	s9 =	ssub.s32 s28, s29  }
0xc: {  	s30 =	sshrl.u32 s11, $0x2;
	s10 =	simm.s32 $0x2;
	s11 =	simm.s32 $0x4000  }
0xd: {  	s7 =	sshrl.u32 s7, $0x3;
	s13 =	sadd.s32 s30, s1;
	s9 =	smax.u32 s9, $0x1  }
0xe: {  	s12 =	sadd.s32 s7, s6;
	s6 =	sadd.s32 $0x65E00, s8;
	s7 =	sadd.s32 $0x4000, s8  }
0xf: {  	s13 =	sshrl.u32 s13, $0x3;
	s8 =	sadd.s32 $0x75E00, s12;
	s12 =	sor.u32 $0x1C02, s31  }
.LBB2_1:
0x10: {  	[tilespmem:s3], [sflag:$0x2] =	stream.linear.gather [hbm4b:s6+s3], $0x3E80, $0x38;
	[tilespmem:$0x1E400] =	vst v63  }
0x11: {  	_ =	swait.ge [sflag:s10], $0x3E80  }
0x12: {  	[sflag:s10] =	ssyncset.done $0x0  }
0x13: {  	[sflag:s10] =	ssyncadd.s32 $0xFFFFC180  }
0x14: {  	[tilespmem:s11], [sflag:$0x2] =	stream.linear.gather [hbm4b:s7+s3], $0x3E80, $0x38;
	[tilespmem:$0x1E400] =	vst v63  }
0x15: {  	_ =	swait.ge [sflag:s10], $0x3E80  }
0x16: {  	[sflag:s10] =	ssyncset.done $0x0  }
0x17: {  	[sflag:s10] =	ssyncadd.s32 $0xFFFFC180  }
0x18: {  	[spmem:s13], [sflag:s12] =	dma.local [hbm:s5], $0x2780  }
0x19: {  	_ =	swait.ge [sflag:s10], $0x2780  }
0x1a: {  	[sflag:s10] =	ssyncset.done $0x0  }
0x1b: {  	[sflag:s10] =	ssyncadd.s32 $0xFFFFD880  }
0x1c: {  	s18 =	simm.s32 $0x0;
	[bflag:$0x0] =	sbarrier.arrive $0xFFFF  }
0x1d: {  	[tilespmem:s15], [sflag:$0x1] =	stream.indirect.gather [hbm4b:s4+s14], $0x80, s18, s14, $0xb8;
	[tilespmem:$0x1E400] =	vst v63  }
0x1e: {  	_ =	swait.ge [sflag:s16], $0x2800  }
0x1f: {  	[sflag:s16] =	ssyncset.done $0x0  }
0x20: {  	s31 =	simm.s32 $0x4000;
	[sflag:s16] =	ssyncadd.s32 $0xFFFFD800  }
0x21: {  	[spmem:s1] =	stream.indirect.scatter.add.f32 [tilespmem:s15], [sflag:$0x2], $0x80, s31, s14, $0xb8;
	[tilespmem:$0x1E400] =	vst v63  }
0x22: {  	_ =	swait.ge [sflag:s10], $0x2800  }
0x23: {  	s19 =	simm.s32 $0x400;
	s18 =	simm.s32 $0x200;
	[sflag:s10] =	ssyncset.done $0x0  }
.LBB2_2:
0x24: {  	s20 =	sshra.s32 s18, $0x2  }
0x25: {  	[sflag:s10] =	ssyncadd.s32 $0xFFFFD800;
	s18 =	smov.u32 s19;
	s21 =	sadd.s32 $0x200, s19  }
0x26: {  	[tilespmem:s15], [sflag:$0x1] =	stream.indirect.gather [hbm4b:s4+s14], $0x80, s20, s14, $0xb8;
	[tilespmem:$0x1E400] =	vst v63  }
0x27: {  	p0 =	sne.s32 s19, $0xF800;
	_ =	swait.ge [sflag:s16], $0x2800  }
.Ltmp0:
0x28: {  	[sflag:s16] =	ssyncset.done $0x0;
	(pc) =	sbr.rel @p0 .LBB2_2-.Ltmp0, $4  }
0x29: {  	s19 =	sadd.s32 $0x4000, s20;
	[sflag:s16] =	ssyncadd.s32 $0xFFFFD800  }
0x2a: {  	[spmem:s1] =	stream.indirect.scatter.add.f32 [tilespmem:s15], [sflag:$0x2], $0x80, s19, s14, $0xb8;
	[tilespmem:$0x1E400] =	vst v63  }
0x2b: {  	_ =	swait.ge [sflag:s10], $0x2800  }
0x2c: {  	s19 =	smov.u32 s21;
	[sflag:s10] =	ssyncset.done $0x0  }
0x2d: {  	s18 =	sshra.s32 s18, $0x2;
	[sflag:s10] =	ssyncadd.s32 $0xFFFFD800  }
0x2e: {  	[tilespmem:s15], [sflag:$0x1] =	stream.indirect.gather [hbm4b:s4+s14], $0x80, s18, s14, $0xb8;
	[tilespmem:$0x1E400] =	vst v63  }
0x2f: {  	_ =	swait.ge [sflag:s16], $0x2800  }
0x30: {  	[sflag:s16] =	ssyncset.done $0x0  }
0x31: {  	s18 =	sadd.s32 $0x4000, s18;
	[sflag:s16] =	ssyncadd.s32 $0xFFFFD800  }
0x32: {  	[spmem:s1] =	stream.indirect.scatter.add.f32 [tilespmem:s15], [sflag:$0x2], $0x80, s18, s14, $0xb8;
	[tilespmem:$0x1E400] =	vst v63  }
0x33: {  	_ =	swait.ge [sflag:s10], $0x2800  }
0x34: {  	s17 =	sadd.s32 $0x1, s17;
	[sflag:s10] =	ssyncset.done $0x0  }
0x35: {  	p0 =	sne.s32 s17, s9;
	[sflag:s10] =	ssyncadd.s32 $0xFFFFD800  }
.Ltmp1:
0x36: {  	[bflag:$0x0] =	sbarrier.arrive $0xFFFF;
	(pc) =	sbr.rel @p0 .LBB2_1-.Ltmp1, $4  }
0x37: {  	[hbm:s8], [sflag:s12] =	dma.local [spmem:s13], $0x2780  }
0x38: {  	_ =	swait.ge [sflag:s10], $0x2780  }
0x39: {  	[sflag:s10] =	ssyncset.done $0x0  }
0x3a: {  	[sflag:s10] =	ssyncadd.s32 $0xFFFFD880  }
0x3b: {  	_ =	sfence.sel $0x180000  }
0x3c: {  	[bflag:$0x0] =	sbarrier.arrive $0xFFFF  }
0x3d: {  	p0 =	sne.s32 s2, $0x0;
	_ =	strace $0x9000004D  }
0x3e: {  	s0 =	sadd.s32 @!p0 $0x100000, s0;
	[bflag:$0x2] =	sbarrier.arrive $0xFFFF  }
0x3f: {  	[sflag:s0] =	ssyncadd.tile.s32 @!p0 $0x1;
	_ =	shalt  }
.Lfunc_end2:
_tile_overlayer_lowered:
.L_overlay_start_2:
0x40: {  	(tag) =	ssettag $0x2  }
0x41: {  	s0 =	rddreg [dreg:$0x0];
	s2 =	stileid.u32  }
0x42: {  	s1 =	rddreg [dreg:$0x1];
	p0 =	sne.s32 s2, $0x0  }
0x43: {  	s3 =	rddreg [dreg:$0x2];
	[bflag:$0x3] =	sbarrier.arrive $0xFFFF;
	s2 =	simm.s32 @!p0 $0x1C02  }
0x44: {  	[timem:s3], [sflag:s2] =	dma.local @!p0 [hbm:s0], s1  }
0x45: {  	s0 =	simm.s32 @!p0 $0x2  }
0x46: {  	_ =	swait.ge @!p0 [sflag:s0], s1  }
0x47: {  	s1 =	ssub.s32 @!p0 $0x0, s1;
	[sflag:s0] =	ssyncset.done @!p0 $0x0  }
0x48: {  	[sflag:s0] =	ssyncadd.s32 @!p0 s1  }
0x49: {  	[bflag:$0x3] =	sbarrier.arrive $0xFFFF  }
0x4a: {  	_ =	shalt  }

// kernel: kernel.19.cloned.1.call-start
scs
__scs_entry_jumppad:
0x0: {  	(pc) =	sbr.rel $0x88, $3  }
0x1: {  	(tag) =	ssettag $0x0;
	lr =	simm.s32 $0x1  }
0x2: {  	[smem:$0x3F8E] =	sst lr;
	_ =	strace $0xD0000000  }
0x3: {  	_ = 	snop  }
0x4: {  	_ = 	snop  }
0x5: {  	_ = 	snop  }
0x6: {  	_ = 	snop  }
0x7: {  	_ = 	snop  }
__scs_overlays_trampoline_lowered:
0x8: {  	[smem:$0x3F9D] =	sst s0  }
0x9: {  	[smem:$0x3F9E] =	sst s1  }
0xa: {  	[smem:$0x3F9F] =	sst s2  }
0xb: {  	[smem:$0x3FA0] =	sst s3  }
0xc: {  	[smem:$0x3FA1] =	sst s4  }
0xd: {  	[smem:$0x3FA2] =	sst s5  }
0xe: {  	[smem:$0x3FA3] =	sst s6  }
0xf: {  	[smem:$0x3FA4] =	sst s7  }
0x10: {  	[smem:$0x3FA5] =	sst s8  }
0x11: {  	[smem:$0x3FA6] =	sst s9;
	s0 =	simm.s32 @!p0 $0x0  }
0x12: {  	s1 =	sld [smem:$0x3F8C];
	s0 =	simm.s32 @p0 $0x1  }
0x13: {  	[smem:$0x3FA7] =	sst s0;
	s0 =	simm.s32 @!p1 $0x0  }
0x14: {  	s2 =	sld [smem:$0x3F8B];
	s0 =	simm.s32 @p1 $0x1  }
0x15: {  	[smem:$0x3FA8] =	sst s0;
	s0 =	simm.s32 @!p2 $0x0  }
0x16: {  	s3 =	sld [smem:$0x3FDB];
	s0 =	simm.s32 @p2 $0x1  }
0x17: {  	s4 =	simm.s32 $0x1BF5;
	[smem:$0x3FAA] =	sst s0  }
0x18: {  	s0 =	sld [smem:$0x3F8D];
	_ =	swait.ge [sflag:s4], $0x0  }
0x19: {  	s7 =	sld [smem:$0x3F8E]  }
0x1a: {  	s8 =	sadd.s32 $0xFFFFE003, lr  }
0x1b: {  	s9 =	sadd.s32 $0xFFFFFEF7, lr;
	s5 =	simm.s32 $0xFFFFFFFF;
	p2 =	slt.u32 s8, $0xFFFFF086  }
0x1c: {  	p1 =	slt.u32 s9, $0xF7A;
	s5 =	simm.s32 @!p2 $0x0  }
0x1d: {  	s5 =	simm.s32 @p1 $0x1;
	p0 =	seq.s32 s7, s2  }
0x1e: {  	s7 =	smul.u32 @!p0 $0xF7A, s2;
	p2 =	seq.s32 @!p0 s5, $0x0  }
0x1f: {  	s9 =	smul.u32 $0xF7A, s1;
	s8 =	simm.s32 @!p0 $0x1BF5;
	p2 =	por !p2, p0  }
0x20: {  	[sflag:s8] =	ssyncset.s32 @!p0 $0xFFFFF086;
	s6 =	sadd.s32 @!p0 s3, s7;
	s7 =	simm.s32 @!p0 $0x108  }
0x21: {  	s3 =	sadd.s32 s3, s9;
	s6 =	sadd.s32 @!p0 $0x88, s6;
	s7 =	simm.s32 @p2 $0x1082  }
0x22: {  	[simem:s7], [sflag:s8] =	dma.local @!p0 [hbm:s6], $0xF7A  }
0x23: {  	s9 =	sor.u32 $0xD0000000, s2;
	s6 =	simm.s32 $0x108;
	_ =	swait.ge @!p0 [sflag:s8], $0x0  }
0x24: {  	s3 =	sadd.s32 $0x88, s3;
	s6 =	simm.s32 @!p1 $0x1082;
	[sflag:s4] =	ssyncset.s32 $0xFFFFF086  }
0x25: {  	[simem:s6], [sflag:s4] =	dma.local [hbm:s3], $0xF7A  }
0x26: {  	[smem:$0x3F8E] =	sst s1;
	(tag) =	ssettag s2;
	_ =	strace s9  }
0x27: {  	s1 =	sld [smem:$0x3F9E]  }
0x28: {  	s2 =	sld [smem:$0x3F9F]  }
0x29: {  	s4 =	sld [smem:$0x3FA1]  }
0x2a: {  	p0 =	seq.s32 s5, $0x0;
	s5 =	sld [smem:$0x3FA2]  }
0x2b: {  	s6 =	sld [smem:$0x3FA3]  }
0x2c: {  	s7 =	sld [smem:$0x3FA4]  }
0x2d: {  	s3 =	simm.s32 $0x108;
	s8 =	sld [smem:$0x3FA5]  }
0x2e: {  	s3 =	simm.s32 @!p0 $0x1082;
	s9 =	sld [smem:$0x3FA6]  }
0x2f: {  	lr =	sadd.s32 s0, s3;
	s0 =	sld [smem:$0x3F9D]  }
0x30: {  	s3 =	sld [smem:$0x3FA0]  }
0x31: {  	[smem:$0x3FA9] =	sst s10  }
0x32: {  	s10 =	sld [smem:$0x3FA7];
	_ =	sdelay $0x3  }
0x33: {  	p0 =	seq.s32 s10, $0x1;
	s10 =	sld [smem:$0x3FA9];
	_ =	sdelay $0x3  }
0x34: {  	[smem:$0x3FA9] =	sst s10  }
0x35: {  	s10 =	sld [smem:$0x3FA8];
	_ =	sdelay $0x3  }
0x36: {  	p1 =	seq.s32 s10, $0x1;
	s10 =	sld [smem:$0x3FA9];
	_ =	sdelay $0x3  }
0x37: {  	[smem:$0x3FA9] =	sst s10  }
0x38: {  	s10 =	sld [smem:$0x3FAA]  }
0x39: {  	_ = 	snop;
	(pc) =	sbr.ind lr, $3  }
0x3a: {  	_ = 	snop  }
0x3b: {  	_ = 	snop  }
0x3c: {  	p2 =	seq.s32 s10, $0x1;
	s10 =	sld [smem:$0x3FA9]  }
0x3d: {  	_ =	shalt  }
0x3e: {  	_ =	shalt  }
0x3f: {  	_ =	shalt  }
0x40: {  	_ =	shalt  }
0x41: {  	_ =	shalt  }
0x42: {  	_ =	shalt  }
0x43: {  	_ =	shalt  }
0x44: {  	_ =	shalt  }
0x45: {  	_ =	shalt  }
0x46: {  	_ =	shalt  }
0x47: {  	_ =	shalt  }
0x48: {  	_ =	shalt  }
0x49: {  	_ =	shalt  }
0x4a: {  	_ =	shalt  }
0x4b: {  	_ =	shalt  }
0x4c: {  	_ =	shalt  }
0x4d: {  	_ =	shalt  }
0x4e: {  	_ =	shalt  }
0x4f: {  	_ =	shalt  }
0x50: {  	_ =	shalt  }
0x51: {  	_ =	shalt  }
0x52: {  	_ =	shalt  }
0x53: {  	_ =	shalt  }
0x54: {  	_ =	shalt  }
0x55: {  	_ =	shalt  }
0x56: {  	_ =	shalt  }
0x57: {  	_ =	shalt  }
0x58: {  	_ =	shalt  }
0x59: {  	_ =	shalt  }
0x5a: {  	_ =	shalt  }
0x5b: {  	_ =	shalt  }
0x5c: {  	_ =	shalt  }
0x5d: {  	_ =	shalt  }
0x5e: {  	_ =	shalt  }
0x5f: {  	_ =	shalt  }
0x60: {  	_ =	shalt  }
0x61: {  	_ =	shalt  }
0x62: {  	_ =	shalt  }
0x63: {  	_ =	shalt  }
0x64: {  	_ =	shalt  }
0x65: {  	_ =	shalt  }
0x66: {  	_ =	shalt  }
0x67: {  	_ =	shalt  }
0x68: {  	_ =	shalt  }
0x69: {  	_ =	shalt  }
0x6a: {  	_ =	shalt  }
0x6b: {  	_ =	shalt  }
0x6c: {  	_ =	shalt  }
0x6d: {  	_ =	shalt  }
0x6e: {  	_ =	shalt  }
0x6f: {  	_ =	shalt  }
0x70: {  	_ =	shalt  }
0x71: {  	_ =	shalt  }
0x72: {  	_ =	shalt  }
0x73: {  	_ =	shalt  }
0x74: {  	_ =	shalt  }
0x75: {  	_ =	shalt  }
0x76: {  	_ =	shalt  }
0x77: {  	_ =	shalt  }
0x78: {  	_ =	shalt  }
0x79: {  	_ =	shalt  }
0x7a: {  	_ =	shalt  }
0x7b: {  	_ =	shalt  }
0x7c: {  	_ =	shalt  }
0x7d: {  	_ =	shalt  }
0x7e: {  	_ =	shalt  }
0x7f: {  	_ =	shalt  }
0x80: {  	_ =	shalt  }
0x81: {  	_ =	shalt  }
0x82: {  	_ =	shalt  }
0x83: {  	_ =	shalt  }
0x84: {  	_ =	shalt  }
0x85: {  	_ =	shalt  }
0x86: {  	_ =	shalt  }
0x87: {  	_ =	shalt  }
.Lfunc_end0:
.L_simem_size_0:
called_computation.3_lowered:
.L_overlay_start_0:
0x88: {  	s2 =	sld [smem:$0x3FD9]  }
0x89: {  	s3 =	sld [smem:$0x3FFE];
	_ =	sdelay $0x1  }
0x8a: {  	s1 =	srdreg.scid  }
0x8b: {  	s0 =	sand.u32 $0x1, s1  }
0x8c: {  	s16 =	sshll.u32 s0, $0xA;
	s2 =	sadd.s32 s3, s2  }
0x8d: {  	s2 =	sadd.s32 s2, s16  }
0x8e: {  	[smem:$0x3FB5] =	sst s2  }
0x8f: {  	_ = 	snop  }
0x90: {  	(tm) =	ssettm $0x1  }
0x91: {  	s17 =	sld [smem:$0x3FFB];
	_ =	sdelay $0x3  }
0x92: {  	_ =	strace s17  }
0x93: {  	s2 =	sld [smem:$0x3FFC];
	_ =	sdelay $0x3  }
0x94: {  	_ =	strace s2  }
0x95: {  	s2 =	sld [smem:$0x3FFD];
	_ =	sdelay $0x3  }
0x96: {  	_ =	strace s2  }
0x97: {  	_ =	strace $0x8FFFFFFF  }
0x98: {  	s18 =	sld [smem:$0x3FDB];
	_ =	sdelay $0x1  }
0x99: {  	s19 =	simm.s32 $_scs_section_size  }
0x9a: {  	s4 =	simm.s32 $_size__tile_overlayer_lowered;
	s5 =	simm.s32 $_tile_overlayer_lowered  }
0x9b: {  	s22 =	simm.s32 $0x1BFF;
	s21 =	sshll.u32 s5, $0x1;
	s2 =	sadd.s32 s19, s18  }
0x9c: {  	s6 =	simm.s32 $0x0;
	s20 =	sshll.u32 s4, $0x1;
	s4 =	sadd.s32 s21, s2  }
0x9d: {  	[timem:s6], [sflag:s22] =	dma.local [hbm:s4], s20  }
0x9e: {  	_ =	swait.ge [sflag:s22], s20  }
0x9f: {  	s3 =	ssub.s32 $0x0, s20;
	[sflag:s22] =	ssyncset.done $0x0  }
0xa0: {  	[sflag:s22] =	ssyncadd.s32 s3;
	_ =	sdelay $0x1  }
0xa1: {  	s23 =	simm.s32 $0x1B8B  }
0xa2: {  	_ =	swait.ge [sflag:s23], $0x1  }
0xa3: {  	[sflag:s23] =	ssyncset.done $0x0  }
0xa4: {  	s25 =	simm.s32 $0x1B8E;
	s24 =	sld [smem:$0x3FFE];
	[sflag:s23] =	ssyncadd.s32 $0xFFFFFFFF  }
0xa5: {  	s26 =	simm.s32 $execute0_lowered;
	[smem:$0x3FD2] =	sst s25  }
0xa6: {  	s4 =	sshll.u32 s26, $0x1;
	_ =	strace $0x8000004F;
	[dreg:$0x1] =	wrdreg $0xFFFFFFFF  }
0xa7: {  	s28 =	simm.s32 $_size_execute0_lowered;
	s2 =	sadd.s32 s2, s4;
	[dreg:$0x0] =	wrdreg $0x0  }
0xa8: {  	s4 =	sshll.u32 s28, $0x1;
	[dreg:$0x2] =	wrdreg s2  }
0xa9: {  	[dreg:$0x3] =	wrdreg s4  }
0xaa: {  	[dreg:$0x4] =	wrdreg $0xC0  }
0xab: {  	_ =	task [dreg:s6], $0x5FFFF  }
0xac: {  	[dreg:$0x1] =	wrdreg $0xFFFFFFFF  }
0xad: {  	[dreg:$0x0] =	wrdreg $0x60  }
0xae: {  	[dreg:$0x2] =	wrdreg s24  }
0xaf: {  	[dreg:$0x3] =	wrdreg $0xA8000  }
0xb0: {  	[dreg:$0x4] =	wrdreg $0x9  }
0xb1: {  	_ =	task.clear_ibuf [dreg:s6], $0x5FFFF;
	_ =	strace $0x9000004F  }
0xb2: {  	s29 =	simm.s32 $0x9;
	_ =	strace $0x80000051  }
0xb3: {  	_ =	swait.ge [sflag:s29], $0x1  }
0xb4: {  	[sflag:s29] =	ssyncadd.s32 $0xFFFFFFFF  }
0xb5: {  	_ =	strace $0x90000051  }
0xb6: {  	_ =	sfence  }
0xb7: {  	s30 =	sld [smem:$0x0];
	_ =	sdelay $0x2  }
0xb8: {  	s31 =	sshll.u32 s1, $0xD;
	s1 =	sshrl.u32 s1, $0x2  }
0xb9: {  	s3 =	sand.u32 $0x4000, s31;
	s1 =	sadd.s32 s1, s30  }
0xba: {  	s0 =	sor.u32 s3, s0;
	s1 =	sshll.u32 s1, $0x11  }
0xbb: {  	s0 =	sor.u32 s1, s0  }
0xbc: {  	s0 =	sadd.s32 $0x8F2B, s0  }
0xbd: {  	[sflag:s0] =	ssyncadd.remote.s32 $0x1  }
0xbe: {  	_ =	sfence.sel $0xFFFF  }
0xbf: {  	[dreg:$0x0] =	wrdreg $0xFFFFFFFF;
	(pc) =	sbr.abs _section_cstart, $3  }
0xc0: {  	[dreg:$0x1] =	wrdreg $0xFFFFFFFF  }
0xc1: {  	_ =	task.clear_ibuf [dreg:s6], $0x2FFFF;
	_ =	strace $0x9FFFFFFF  }
0xc2: {  	(tm) =	ssettm $0x7FFFFFFF  }
0xc3: {  	_ =	shalt  }
tec
execute0_lowered:
.L_overlay_start_1:
0x0: {  	(tag) =	ssettag $0x1  }
0x1: {  	s6 =	rddreg [dreg:$0x0]  }
0x2: {  	s1 =	rddreg [dreg:$0x1]  }
0x3: {  	s0 =	rddreg [dreg:$0x2]  }
0x4: {  	s3 =	simm.s32 $0x0;
	s2 =	srdreg.scid;
	s14 =	simm.s32 $0x50  }
0x5: {  	s15 =	simm.s32 $0x8000;
	s16 =	simm.s32 $0x1;
	s17 =	simm.s32 $0x0  }
0x6: {  	[smem:$0x7FF] =	sst s3;
	s5 =	sand.u32 $0x1, s2;
	s2 =	stileid.u32  }
0x7: {  	s4 =	sadd.s32 $0x16800, s6;
	s7 =	smul.u32 $0x13C000, s5;
	s8 =	sshll.u32 s2, $0xC  }
0x8: {  	s9 =	sshll.u32 s5, $0xB;
	s10 =	smul.u32 $0x13C00, s2;
	_ =	strace $0x80000050  }
0x9: {  	s28 =	ssub.s32 $0x2, s5;
	s11 =	smul.u32 $0x4F000, s2;
	s5 =	sadd.s32 $0x14000, s6  }
0xa: {  	s31 =	sshll.u32 s2, $0x6;
	s8 =	sor.u32 s9, s8;
	s29 =	sshrl.u32 s28, $0x1  }
0xb: {  	s8 =	sadd.s32 s8, s6;
	s7 =	sadd.s32 s10, s7;
	s9 =	ssub.s32 s28, s29  }
0xc: {  	s30 =	sshrl.u32 s11, $0x2;
	s10 =	simm.s32 $0x2;
	s11 =	simm.s32 $0x4000  }
0xd: {  	s7 =	sshrl.u32 s7, $0x3;
	s13 =	sadd.s32 s30, s1;
	s9 =	smax.u32 s9, $0x1  }
0xe: {  	s12 =	sadd.s32 s7, s6;
	s6 =	sadd.s32 $0x65E00, s8;
	s7 =	sadd.s32 $0x4000, s8  }
0xf: {  	s13 =	sshrl.u32 s13, $0x3;
	s8 =	sadd.s32 $0x75E00, s12;
	s12 =	sor.u32 $0x1C02, s31  }
.LBB2_1:
0x10: {  	[tilespmem:s3], [sflag:$0x2] =	stream.linear.gather [hbm4b:s6+s3], $0x3E80, $0x38;
	[tilespmem:$0x1E400] =	vst v63  }
0x11: {  	_ =	swait.ge [sflag:s10], $0x3E80  }
0x12: {  	[sflag:s10] =	ssyncset.done $0x0  }
0x13: {  	[sflag:s10] =	ssyncadd.s32 $0xFFFFC180  }
0x14: {  	[tilespmem:s11], [sflag:$0x2] =	stream.linear.gather [hbm4b:s7+s3], $0x3E80, $0x38;
	[tilespmem:$0x1E400] =	vst v63  }
0x15: {  	_ =	swait.ge [sflag:s10], $0x3E80  }
0x16: {  	[sflag:s10] =	ssyncset.done $0x0  }
0x17: {  	[sflag:s10] =	ssyncadd.s32 $0xFFFFC180  }
0x18: {  	[spmem:s13], [sflag:s12] =	dma.local [hbm:s5], $0x2780  }
0x19: {  	_ =	swait.ge [sflag:s10], $0x2780  }
0x1a: {  	[sflag:s10] =	ssyncset.done $0x0  }
0x1b: {  	[sflag:s10] =	ssyncadd.s32 $0xFFFFD880  }
0x1c: {  	s18 =	simm.s32 $0x0;
	[bflag:$0x0] =	sbarrier.arrive $0xFFFF  }
0x1d: {  	[tilespmem:s15], [sflag:$0x1] =	stream.indirect.gather [hbm4b:s4+s14], $0x80, s18, s14, $0xb8;
	[tilespmem:$0x1E400] =	vst v63  }
0x1e: {  	_ =	swait.ge [sflag:s16], $0x2800  }
0x1f: {  	[sflag:s16] =	ssyncset.done $0x0  }
0x20: {  	s31 =	simm.s32 $0x4000;
	[sflag:s16] =	ssyncadd.s32 $0xFFFFD800  }
0x21: {  	[spmem:s1] =	stream.indirect.scatter.add.f32 [tilespmem:s15], [sflag:$0x2], $0x80, s31, s14, $0xb8;
	[tilespmem:$0x1E400] =	vst v63  }
0x22: {  	_ =	swait.ge [sflag:s10], $0x2800  }
0x23: {  	s19 =	simm.s32 $0x400;
	s18 =	simm.s32 $0x200;
	[sflag:s10] =	ssyncset.done $0x0  }
.LBB2_2:
0x24: {  	s20 =	sshra.s32 s18, $0x2  }
0x25: {  	[sflag:s10] =	ssyncadd.s32 $0xFFFFD800;
	s18 =	smov.u32 s19;
	s21 =	sadd.s32 $0x200, s19  }
0x26: {  	[tilespmem:s15], [sflag:$0x1] =	stream.indirect.gather [hbm4b:s4+s14], $0x80, s20, s14, $0xb8;
	[tilespmem:$0x1E400] =	vst v63  }
0x27: {  	p0 =	sne.s32 s19, $0xF800;
	_ =	swait.ge [sflag:s16], $0x2800  }
.Ltmp0:
0x28: {  	[sflag:s16] =	ssyncset.done $0x0;
	(pc) =	sbr.rel @p0 .LBB2_2-.Ltmp0, $4  }
0x29: {  	s19 =	sadd.s32 $0x4000, s20;
	[sflag:s16] =	ssyncadd.s32 $0xFFFFD800  }
0x2a: {  	[spmem:s1] =	stream.indirect.scatter.add.f32 [tilespmem:s15], [sflag:$0x2], $0x80, s19, s14, $0xb8;
	[tilespmem:$0x1E400] =	vst v63  }
0x2b: {  	_ =	swait.ge [sflag:s10], $0x2800  }
0x2c: {  	s19 =	smov.u32 s21;
	[sflag:s10] =	ssyncset.done $0x0  }
0x2d: {  	s18 =	sshra.s32 s18, $0x2;
	[sflag:s10] =	ssyncadd.s32 $0xFFFFD800  }
0x2e: {  	[tilespmem:s15], [sflag:$0x1] =	stream.indirect.gather [hbm4b:s4+s14], $0x80, s18, s14, $0xb8;
	[tilespmem:$0x1E400] =	vst v63  }
0x2f: {  	_ =	swait.ge [sflag:s16], $0x2800  }
0x30: {  	[sflag:s16] =	ssyncset.done $0x0  }
0x31: {  	s18 =	sadd.s32 $0x4000, s18;
	[sflag:s16] =	ssyncadd.s32 $0xFFFFD800  }
0x32: {  	[spmem:s1] =	stream.indirect.scatter.add.f32 [tilespmem:s15], [sflag:$0x2], $0x80, s18, s14, $0xb8;
	[tilespmem:$0x1E400] =	vst v63  }
0x33: {  	_ =	swait.ge [sflag:s10], $0x2800  }
0x34: {  	s17 =	sadd.s32 $0x1, s17;
	[sflag:s10] =	ssyncset.done $0x0  }
0x35: {  	p0 =	sne.s32 s17, s9;
	[sflag:s10] =	ssyncadd.s32 $0xFFFFD800  }
.Ltmp1:
0x36: {  	[bflag:$0x0] =	sbarrier.arrive $0xFFFF;
	(pc) =	sbr.rel @p0 .LBB2_1-.Ltmp1, $4  }
0x37: {  	[hbm:s8], [sflag:s12] =	dma.local [spmem:s13], $0x2780  }
0x38: {  	_ =	swait.ge [sflag:s10], $0x2780  }
0x39: {  	[sflag:s10] =	ssyncset.done $0x0  }
0x3a: {  	[sflag:s10] =	ssyncadd.s32 $0xFFFFD880  }
0x3b: {  	_ =	sfence.sel $0x180000  }
0x3c: {  	[bflag:$0x0] =	sbarrier.arrive $0xFFFF  }
0x3d: {  	p0 =	sne.s32 s2, $0x0;
	_ =	strace $0x90000050  }
0x3e: {  	s0 =	sadd.s32 @!p0 $0x100000, s0;
	[bflag:$0x2] =	sbarrier.arrive $0xFFFF  }
0x3f: {  	[sflag:s0] =	ssyncadd.tile.s32 @!p0 $0x1;
	_ =	shalt  }
.Lfunc_end2:
_tile_overlayer_lowered:
.L_overlay_start_2:
0x40: {  	(tag) =	ssettag $0x2  }
0x41: {  	s0 =	rddreg [dreg:$0x0];
	s2 =	stileid.u32  }
0x42: {  	s1 =	rddreg [dreg:$0x1];
	p0 =	sne.s32 s2, $0x0  }
0x43: {  	s3 =	rddreg [dreg:$0x2];
	[bflag:$0x3] =	sbarrier.arrive $0xFFFF;
	s2 =	simm.s32 @!p0 $0x1C02  }
0x44: {  	[timem:s3], [sflag:s2] =	dma.local @!p0 [hbm:s0], s1  }
0x45: {  	s0 =	simm.s32 @!p0 $0x2  }
0x46: {  	_ =	swait.ge @!p0 [sflag:s0], s1  }
0x47: {  	s1 =	ssub.s32 @!p0 $0x0, s1;
	[sflag:s0] =	ssyncset.done @!p0 $0x0  }
0x48: {  	[sflag:s0] =	ssyncadd.s32 @!p0 s1  }
0x49: {  	[bflag:$0x3] =	sbarrier.arrive $0xFFFF  }
0x4a: {  	_ =	shalt  }

</sc_bundles>
